<compile_context>
chip_gen: v7x
topology: tpu7x:2x2x1
jax: 0.10.2.dev20260603
libtpu: 0.0.44.dev20260713+nightly
codegen_flags: <defaults>
</compile_context>

<pallas_src>
import functools

import jax
import jax.numpy as jnp
from jax import lax
from jax.experimental import pallas as pl
from jax.experimental.pallas import tpu as pltpu
from jax.experimental.pallas import tpu_sc as plsc

_BETA = 0.25
_N_EMB = 8192
_DIM = 256
_B = 16384

_BM = 512
_BNB = 2048
_NB = _N_EMB // _BNB
_LANES = 128
_NCHB = _BNB // _LANES


def _argmin_body(x_ref, w_ref, ind_ref, loss_ref, swb_ref):
    m = pl.program_id(0)
    m_last = pl.num_programs(0) - 1

    @pl.when(m == 0)
    def _():
        w = w_ref[...]
        swb_ref[...] = (0.5 * jnp.sum(w * w, axis=1)).reshape(
            _N_EMB // _LANES, _LANES)

    x = x_ref[...]

    rv = jnp.full((_BM, _LANES), jnp.inf, jnp.float32)
    rc = jnp.zeros((_BM, _LANES), jnp.int32)
    for nb in range(_NB):
        dotm = lax.dot_general(
            x, w_ref[nb * _BNB:(nb + 1) * _BNB, :],
            (((1,), (1,)), ((), ())),
            preferred_element_type=jnp.float32,
        )
        for c in range(_NCHB):
            g = nb * _NCHB + c
            d = swb_ref[pl.ds(g, 1), :] - dotm[:, c * _LANES:(c + 1) * _LANES]
            bet = d < rv
            rv = jnp.where(bet, d, rv)
            rc = jnp.where(bet, g, rc)

    mn = jnp.min(rv, axis=1, keepdims=True)
    lane = lax.broadcasted_iota(jnp.int32, (_BM, _LANES), 1)
    key = jnp.where(rv == mn, rc * _LANES + lane, _N_EMB)
    ind_ref[...] = jnp.min(key, axis=1, keepdims=True)
    sx = jnp.sum(x * x, axis=1, keepdims=True)
    part = 2.0 * jnp.sum(mn) + jnp.sum(sx)

    @pl.when(m == 0)
    def _():
        loss_ref[0, 0] = part

    @pl.when(m > 0)
    def _():
        loss_ref[0, 0] = loss_ref[0, 0] + part

    @pl.when(m == m_last)
    def _():
        loss_ref[0, 0] = loss_ref[0, 0] * ((1.0 + _BETA) / (_B * _DIM))


_argmin_call = pl.pallas_call(
    _argmin_body,
    grid=(_B // _BM,),
    in_specs=[
        pl.BlockSpec((_BM, _DIM), lambda m: (m, 0)),
        pl.BlockSpec((_N_EMB, _DIM), lambda m: (0, 0)),
    ],
    out_specs=[
        pl.BlockSpec((_BM, 1), lambda m: (m, 0)),
        pl.BlockSpec((1, 1), lambda m: (0, 0), memory_space=pltpu.SMEM),
    ],
    out_shape=[
        jax.ShapeDtypeStruct((_B, 1), jnp.int32),
        jax.ShapeDtypeStruct((1, 1), jnp.float32),
    ],
    scratch_shapes=[
        pltpu.VMEM((_N_EMB // _LANES, _LANES), jnp.float32),
    ],
)


def _make_gather():
    try:
        info = plsc.get_sparse_core_info()
        nc, ns = info.num_cores, info.num_subcores
    except Exception:
        nc, ns = 2, 16
    nw = nc * ns
    b_per_w = _B // nw
    ch = 128
    n_ch = b_per_w // ch
    mesh = plsc.VectorSubcoreMesh(
        core_axis_name="c", subcore_axis_name="s",
        num_cores=nc, num_subcores=ns,
    )

    @functools.partial(
        pl.kernel,
        out_type=jax.ShapeDtypeStruct((_B, _DIM), jnp.float32),
        mesh=mesh,
        scratch_types=[
            pltpu.VMEM((n_ch, ch), jnp.int32),
            pltpu.VMEM((ch, _DIM), jnp.float32),
            pltpu.VMEM((ch, _DIM), jnp.float32),
            pltpu.SemaphoreType.DMA,
            pltpu.SemaphoreType.DMA,
        ],
    )
    def gather_k(table_hbm, idx_hbm, out_hbm, idx_v, buf0, buf1, sem0, sem1):
        wid = lax.axis_index("s") * nc + lax.axis_index("c")
        base = wid * b_per_w
        pltpu.sync_copy(idx_hbm.at[wid], idx_v)
        bufs = (buf0, buf1)
        sems = (sem0, sem1)
        copies = [None, None]
        copies[0] = pltpu.async_copy(table_hbm.at[idx_v.at[0]], buf0, sem0)
        for j in range(n_ch):
            nxt = (j + 1) % 2
            if j + 1 < n_ch:
                copies[nxt] = pltpu.async_copy(
                    table_hbm.at[idx_v.at[j + 1]], bufs[nxt], sems[nxt]
                )
            copies[j % 2].wait()
            pltpu.sync_copy(
                bufs[j % 2], out_hbm.at[pl.ds(base + j * ch, ch)]
            )

    return gather_k, nw, n_ch, ch


_gather_cache = []


def kernel(x, W):
    if not _gather_cache:
        _gather_cache.append(_make_gather())
    gather_call, nw, n_ch, ch = _gather_cache[0]
    ind2, loss2 = _argmin_call(x, W)
    ind = ind2.reshape(_B)
    quantized = gather_call(W, ind.reshape(nw, n_ch, ch))
    loss = loss2[0, 0]
    return quantized, ind, loss

# --- scband reference (transcript-rebuilt; emitter-appended) ---
"""Pipeline reference for scband-vector-quantization-87110526698166 (READ-ONLY COPY).

The authoritative reference and input builder live on the scoring server;
editing this copy changes nothing except your own understanding.
"""

import jax, jax.numpy as jnp
import numpy as np

BETA = 0.25
NUM_EMBEDDINGS = 8192
EMBEDDING_DIM = 256
B = 16384


def setup_inputs(seed: int = 0) -> dict:
    key = jax.random.key(seed)
    kx, kw = jax.random.split(key)
    x = jax.random.normal(kx, (B, EMBEDDING_DIM), dtype=jnp.float32)
    # nn.Embedding default init: N(0, 1). We assume the codebook is already
    # initialized (is_initialized=True path); the KMeans init is a one-time
    # side effect and not part of the steady-state forward computation.
    W = jax.random.normal(kw, (NUM_EMBEDDINGS, EMBEDDING_DIM), dtype=jnp.float32)
    return {"x": x, "W": W}


def reference(x, W):
    # dist[i, j] = ||x_i||^2 - 2 x_i . w_j + ||w_j||^2
    dist = (
        jnp.sum(x * x, axis=1, keepdims=True)
        - 2.0 * jnp.matmul(x, W.T)
        + jnp.sum(W * W, axis=1, keepdims=True).T
    )
    _, ind = jax.lax.top_k(-dist, 1)
    ind = jnp.squeeze(ind, axis=-1)
    quantized = jnp.take(W, ind, axis=0)
    loss = (
        BETA * jnp.mean((x - jax.lax.stop_gradient(quantized)) ** 2)
        + jnp.mean((jax.lax.stop_gradient(x) - quantized) ** 2)
    )
    quantized = x + jax.lax.stop_gradient(quantized - x)
    return (quantized, ind, loss)

if __name__ == "__main__":
    import jax
    _d = setup_inputs()
    print(jax.jit(kernel)(*tuple(_d.values())))

</pallas_src>

<mosaic_0001>
#map = affine_map<(d0, d1) -> (0, 0)>
#map1 = affine_map<(d0, d1) -> (0, 0, 0)>
module attributes {stable_mosaic.version = 14 : i64} {
  func.func @gather_k(%arg0: i32, %arg1: i32, %arg2: memref<8192x256xf32, #tpu.memory_space<hbm>>, %arg3: memref<32x4x128xi32, #tpu.memory_space<hbm>>, %arg4: memref<16384x256xf32, #tpu.memory_space<hbm>>, %arg5: memref<4x128xi32, #tpu.memory_space<vmem>>, %arg6: memref<128x256xf32, #tpu.memory_space<vmem>>, %arg7: memref<128x256xf32, #tpu.memory_space<vmem>>, %arg8: memref<!tpu.dma_semaphore, #tpu.memory_space<semaphore_mem>>, %arg9: memref<!tpu.dma_semaphore, #tpu.memory_space<semaphore_mem>>) attributes {dimension_semantics = [#tpu.dimension_semantics<core_parallel>, #tpu.dimension_semantics<subcore_parallel>], iteration_bounds = array<i64: 2, 16>, scalar_prefetch = 0 : i64, scratch_operands = 5 : i64, tpu.core_type = #tpu.core_type<sc_vector_subcore>, window_params = [{transform_indices = #map}, {transform_indices = #map1}, {transform_indices = #map}]} {
    %mul3A = arith.constant 2 : i32
    %mul3A_0 = arith.muli %arg1, %mul3A : i32
    %add3A = arith.addi %mul3A_0, %arg0 : i32
    %mul3A_1 = arith.constant 512 : i32
    %mul3A_2 = arith.muli %add3A, %mul3A_1 : i32
    "tpu.region"() ({
      %run_scoped3A = tpu.sem_alloc : memref<!tpu.dma_semaphore, #tpu.memory_space<semaphore_mem>>
      %dma_start3A_65 = arith.constant 0 : i32
      %dma_start3A_66 = arith.constant 0 : i32
      %dma_start3A_67 = tpu.memref_slice %arg3[%add3A, %dma_start3A_65, %dma_start3A_66] : memref<32x4x128xi32, #tpu.memory_space<hbm>> -> memref<1x4x128xi32, #tpu.memory_space<hbm>>
      %dma_start3A_68 = tpu.memref_squeeze %dma_start3A_67 : memref<1x4x128xi32, #tpu.memory_space<hbm>> -> memref<4x128xi32, #tpu.memory_space<hbm>>
      %dma_start3A_69 = arith.constant 0 : i32
      %dma_start3A_70 = arith.constant 0 : i32
      %dma_start3A_71 = tpu.memref_slice %arg3[%add3A, %dma_start3A_69, %dma_start3A_70] : memref<32x4x128xi32, #tpu.memory_space<hbm>> -> memref<1x4x128xi32, #tpu.memory_space<hbm>>
      %dma_start3A_72 = tpu.memref_squeeze %dma_start3A_71 : memref<1x4x128xi32, #tpu.memory_space<hbm>> -> memref<4x128xi32, #tpu.memory_space<hbm>>
      tpu.enqueue_dma source(%dma_start3A_72 : memref<4x128xi32, #tpu.memory_space<hbm>>) target(%arg5 : memref<4x128xi32, #tpu.memory_space<vmem>>) target_semaphore(%run_scoped3A : memref<!tpu.dma_semaphore, #tpu.memory_space<semaphore_mem>>)
      %dma_wait3A_73 = arith.constant 0 : i32
      %dma_wait3A_74 = arith.constant 0 : i32
      %dma_wait3A_75 = tpu.memref_slice %arg3[%add3A, %dma_wait3A_73, %dma_wait3A_74] : memref<32x4x128xi32, #tpu.memory_space<hbm>> -> memref<1x4x128xi32, #tpu.memory_space<hbm>>
      %dma_wait3A_76 = tpu.memref_squeeze %dma_wait3A_75 : memref<1x4x128xi32, #tpu.memory_space<hbm>> -> memref<4x128xi32, #tpu.memory_space<hbm>>
      %dma_wait3A_77 = arith.constant 0 : i32
      %dma_wait3A_78 = arith.constant 0 : i32
      %dma_wait3A_79 = tpu.memref_slice %arg3[%add3A, %dma_wait3A_77, %dma_wait3A_78] : memref<32x4x128xi32, #tpu.memory_space<hbm>> -> memref<1x4x128xi32, #tpu.memory_space<hbm>>
      %dma_wait3A_80 = tpu.memref_squeeze %dma_wait3A_79 : memref<1x4x128xi32, #tpu.memory_space<hbm>> -> memref<4x128xi32, #tpu.memory_space<hbm>>
      tpu.wait_dma2 semaphore(%run_scoped3A : memref<!tpu.dma_semaphore, #tpu.memory_space<semaphore_mem>>) src(%dma_wait3A_80 : memref<4x128xi32, #tpu.memory_space<hbm>>) dst(%arg5 : memref<4x128xi32, #tpu.memory_space<vmem>>)
      tpu.yield
    }) : () -> ()
    %dma_start3A = arith.constant 0 : i32
    %dma_start3A_3 = arith.constant 0 : i32
    %dma_start3A_4 = tpu.memref_slice %arg5[%dma_start3A, %dma_start3A_3] : memref<4x128xi32, #tpu.memory_space<vmem>> -> memref<1x128xi32, #tpu.memory_space<vmem>>
    %dma_start3A_5 = tpu.memref_squeeze %dma_start3A_4 : memref<1x128xi32, #tpu.memory_space<vmem>> -> memref<128xi32, #tpu.memory_space<vmem>>
    %dma_start3A_6 = arith.constant 0 : i32
    %dma_start3A_7 = arith.constant 0 : i32
    %dma_start3A_8 = tpu.memref_slice %arg2[%dma_start3A_6, %dma_start3A_7] : memref<8192x256xf32, #tpu.memory_space<hbm>> -> memref<8192x256xf32, #tpu.memory_space<hbm>>
    tpu.enqueue_indirect_dma source(%dma_start3A_8 : memref<8192x256xf32, #tpu.memory_space<hbm>>) target(%arg6 : memref<128x256xf32, #tpu.memory_space<vmem>>) offsets(%dma_start3A_5 : memref<128xi32, #tpu.memory_space<vmem>>) semaphore(%arg8 : memref<!tpu.dma_semaphore, #tpu.memory_space<semaphore_mem>>)
    %dma_start3A_9 = arith.constant 1 : i32
    %dma_start3A_10 = arith.constant 0 : i32
    %dma_start3A_11 = tpu.memref_slice %arg5[%dma_start3A_9, %dma_start3A_10] : memref<4x128xi32, #tpu.memory_space<vmem>> -> memref<1x128xi32, #tpu.memory_space<vmem>>
    %dma_start3A_12 = tpu.memref_squeeze %dma_start3A_11 : memref<1x128xi32, #tpu.memory_space<vmem>> -> memref<128xi32, #tpu.memory_space<vmem>>
    %dma_start3A_13 = arith.constant 0 : i32
    %dma_start3A_14 = arith.constant 0 : i32
    %dma_start3A_15 = tpu.memref_slice %arg2[%dma_start3A_13, %dma_start3A_14] : memref<8192x256xf32, #tpu.memory_space<hbm>> -> memref<8192x256xf32, #tpu.memory_space<hbm>>
    tpu.enqueue_indirect_dma source(%dma_start3A_15 : memref<8192x256xf32, #tpu.memory_space<hbm>>) target(%arg7 : memref<128x256xf32, #tpu.memory_space<vmem>>) offsets(%dma_start3A_12 : memref<128xi32, #tpu.memory_space<vmem>>) semaphore(%arg9 : memref<!tpu.dma_semaphore, #tpu.memory_space<semaphore_mem>>)
    %dma_wait3A = arith.constant 0 : i32
    %dma_wait3A_16 = arith.constant 0 : i32
    %dma_wait3A_17 = tpu.memref_slice %arg5[%dma_wait3A, %dma_wait3A_16] : memref<4x128xi32, #tpu.memory_space<vmem>> -> memref<1x128xi32, #tpu.memory_space<vmem>>
    %dma_wait3A_18 = tpu.memref_squeeze %dma_wait3A_17 : memref<1x128xi32, #tpu.memory_space<vmem>> -> memref<128xi32, #tpu.memory_space<vmem>>
    %dma_wait3A_19 = arith.constant 0 : i32
    %dma_wait3A_20 = arith.constant 0 : i32
    %dma_wait3A_21 = tpu.memref_slice %arg2[%dma_wait3A_19, %dma_wait3A_20] : memref<8192x256xf32, #tpu.memory_space<hbm>> -> memref<8192x256xf32, #tpu.memory_space<hbm>>
    tpu.wait_indirect_dma semaphore(%arg8 : memref<!tpu.dma_semaphore, #tpu.memory_space<semaphore_mem>>) src(%dma_wait3A_21 : memref<8192x256xf32, #tpu.memory_space<hbm>>) dst(%arg6 : memref<128x256xf32, #tpu.memory_space<vmem>>)
    %add3A_22 = arith.constant 0 : i32
    %add3A_23 = arith.addi %mul3A_2, %add3A_22 : i32
    "tpu.region"() ({
      %run_scoped3A = tpu.sem_alloc : memref<!tpu.dma_semaphore, #tpu.memory_space<semaphore_mem>>
      %dma_start3A_65 = arith.constant 0 : i32
      %dma_start3A_66 = tpu.memref_slice %arg4[%add3A_23, %dma_start3A_65] : memref<16384x256xf32, #tpu.memory_space<hbm>> -> memref<128x256xf32, #tpu.memory_space<hbm>>
      %dma_start3A_67 = arith.constant 0 : i32
      %dma_start3A_68 = tpu.memref_slice %arg4[%add3A_23, %dma_start3A_67] : memref<16384x256xf32, #tpu.memory_space<hbm>> -> memref<128x256xf32, #tpu.memory_space<hbm>>
      tpu.enqueue_dma source(%arg6 : memref<128x256xf32, #tpu.memory_space<vmem>>) target(%dma_start3A_68 : memref<128x256xf32, #tpu.memory_space<hbm>>) target_semaphore(%run_scoped3A : memref<!tpu.dma_semaphore, #tpu.memory_space<semaphore_mem>>)
      %dma_wait3A_69 = arith.constant 0 : i32
      %dma_wait3A_70 = tpu.memref_slice %arg4[%add3A_23, %dma_wait3A_69] : memref<16384x256xf32, #tpu.memory_space<hbm>> -> memref<128x256xf32, #tpu.memory_space<hbm>>
      %dma_wait3A_71 = arith.constant 0 : i32
      %dma_wait3A_72 = tpu.memref_slice %arg4[%add3A_23, %dma_wait3A_71] : memref<16384x256xf32, #tpu.memory_space<hbm>> -> memref<128x256xf32, #tpu.memory_space<hbm>>
      tpu.wait_dma2 semaphore(%run_scoped3A : memref<!tpu.dma_semaphore, #tpu.memory_space<semaphore_mem>>) src(%arg6 : memref<128x256xf32, #tpu.memory_space<vmem>>) dst(%dma_wait3A_72 : memref<128x256xf32, #tpu.memory_space<hbm>>)
      tpu.yield
    }) : () -> ()
    %dma_start3A_24 = arith.constant 2 : i32
    %dma_start3A_25 = arith.constant 0 : i32
    %dma_start3A_26 = tpu.memref_slice %arg5[%dma_start3A_24, %dma_start3A_25] : memref<4x128xi32, #tpu.memory_space<vmem>> -> memref<1x128xi32, #tpu.memory_space<vmem>>
    %dma_start3A_27 = tpu.memref_squeeze %dma_start3A_26 : memref<1x128xi32, #tpu.memory_space<vmem>> -> memref<128xi32, #tpu.memory_space<vmem>>
    %dma_start3A_28 = arith.constant 0 : i32
    %dma_start3A_29 = arith.constant 0 : i32
    %dma_start3A_30 = tpu.memref_slice %arg2[%dma_start3A_28, %dma_start3A_29] : memref<8192x256xf32, #tpu.memory_space<hbm>> -> memref<8192x256xf32, #tpu.memory_space<hbm>>
    tpu.enqueue_indirect_dma source(%dma_start3A_30 : memref<8192x256xf32, #tpu.memory_space<hbm>>) target(%arg6 : memref<128x256xf32, #tpu.memory_space<vmem>>) offsets(%dma_start3A_27 : memref<128xi32, #tpu.memory_space<vmem>>) semaphore(%arg8 : memref<!tpu.dma_semaphore, #tpu.memory_space<semaphore_mem>>)
    %dma_wait3A_31 = arith.constant 1 : i32
    %dma_wait3A_32 = arith.constant 0 : i32
    %dma_wait3A_33 = tpu.memref_slice %arg5[%dma_wait3A_31, %dma_wait3A_32] : memref<4x128xi32, #tpu.memory_space<vmem>> -> memref<1x128xi32, #tpu.memory_space<vmem>>
    %dma_wait3A_34 = tpu.memref_squeeze %dma_wait3A_33 : memref<1x128xi32, #tpu.memory_space<vmem>> -> memref<128xi32, #tpu.memory_space<vmem>>
    %dma_wait3A_35 = arith.constant 0 : i32
    %dma_wait3A_36 = arith.constant 0 : i32
    %dma_wait3A_37 = tpu.memref_slice %arg2[%dma_wait3A_35, %dma_wait3A_36] : memref<8192x256xf32, #tpu.memory_space<hbm>> -> memref<8192x256xf32, #tpu.memory_space<hbm>>
    tpu.wait_indirect_dma semaphore(%arg9 : memref<!tpu.dma_semaphore, #tpu.memory_space<semaphore_mem>>) src(%dma_wait3A_37 : memref<8192x256xf32, #tpu.memory_space<hbm>>) dst(%arg7 : memref<128x256xf32, #tpu.memory_space<vmem>>)
    %add3A_38 = arith.constant 128 : i32
    %add3A_39 = arith.addi %mul3A_2, %add3A_38 : i32
    "tpu.region"() ({
      %run_scoped3A = tpu.sem_alloc : memref<!tpu.dma_semaphore, #tpu.memory_space<semaphore_mem>>
      %dma_start3A_65 = arith.constant 0 : i32
      %dma_start3A_66 = tpu.memref_slice %arg4[%add3A_39, %dma_start3A_65] : memref<16384x256xf32, #tpu.memory_space<hbm>> -> memref<128x256xf32, #tpu.memory_space<hbm>>
      %dma_start3A_67 = arith.constant 0 : i32
      %dma_start3A_68 = tpu.memref_slice %arg4[%add3A_39, %dma_start3A_67] : memref<16384x256xf32, #tpu.memory_space<hbm>> -> memref<128x256xf32, #tpu.memory_space<hbm>>
      tpu.enqueue_dma source(%arg7 : memref<128x256xf32, #tpu.memory_space<vmem>>) target(%dma_start3A_68 : memref<128x256xf32, #tpu.memory_space<hbm>>) target_semaphore(%run_scoped3A : memref<!tpu.dma_semaphore, #tpu.memory_space<semaphore_mem>>)
      %dma_wait3A_69 = arith.constant 0 : i32
      %dma_wait3A_70 = tpu.memref_slice %arg4[%add3A_39, %dma_wait3A_69] : memref<16384x256xf32, #tpu.memory_space<hbm>> -> memref<128x256xf32, #tpu.memory_space<hbm>>
      %dma_wait3A_71 = arith.constant 0 : i32
      %dma_wait3A_72 = tpu.memref_slice %arg4[%add3A_39, %dma_wait3A_71] : memref<16384x256xf32, #tpu.memory_space<hbm>> -> memref<128x256xf32, #tpu.memory_space<hbm>>
      tpu.wait_dma2 semaphore(%run_scoped3A : memref<!tpu.dma_semaphore, #tpu.memory_space<semaphore_mem>>) src(%arg7 : memref<128x256xf32, #tpu.memory_space<vmem>>) dst(%dma_wait3A_72 : memref<128x256xf32, #tpu.memory_space<hbm>>)
      tpu.yield
    }) : () -> ()
    %dma_start3A_40 = arith.constant 3 : i32
    %dma_start3A_41 = arith.constant 0 : i32
    %dma_start3A_42 = tpu.memref_slice %arg5[%dma_start3A_40, %dma_start3A_41] : memref<4x128xi32, #tpu.memory_space<vmem>> -> memref<1x128xi32, #tpu.memory_space<vmem>>
    %dma_start3A_43 = tpu.memref_squeeze %dma_start3A_42 : memref<1x128xi32, #tpu.memory_space<vmem>> -> memref<128xi32, #tpu.memory_space<vmem>>
    %dma_start3A_44 = arith.constant 0 : i32
    %dma_start3A_45 = arith.constant 0 : i32
    %dma_start3A_46 = tpu.memref_slice %arg2[%dma_start3A_44, %dma_start3A_45] : memref<8192x256xf32, #tpu.memory_space<hbm>> -> memref<8192x256xf32, #tpu.memory_space<hbm>>
    tpu.enqueue_indirect_dma source(%dma_start3A_46 : memref<8192x256xf32, #tpu.memory_space<hbm>>) target(%arg7 : memref<128x256xf32, #tpu.memory_space<vmem>>) offsets(%dma_start3A_43 : memref<128xi32, #tpu.memory_space<vmem>>) semaphore(%arg9 : memref<!tpu.dma_semaphore, #tpu.memory_space<semaphore_mem>>)
    %dma_wait3A_47 = arith.constant 2 : i32
    %dma_wait3A_48 = arith.constant 0 : i32
    %dma_wait3A_49 = tpu.memref_slice %arg5[%dma_wait3A_47, %dma_wait3A_48] : memref<4x128xi32, #tpu.memory_space<vmem>> -> memref<1x128xi32, #tpu.memory_space<vmem>>
    %dma_wait3A_50 = tpu.memref_squeeze %dma_wait3A_49 : memref<1x128xi32, #tpu.memory_space<vmem>> -> memref<128xi32, #tpu.memory_space<vmem>>
    %dma_wait3A_51 = arith.constant 0 : i32
    %dma_wait3A_52 = arith.constant 0 : i32
    %dma_wait3A_53 = tpu.memref_slice %arg2[%dma_wait3A_51, %dma_wait3A_52] : memref<8192x256xf32, #tpu.memory_space<hbm>> -> memref<8192x256xf32, #tpu.memory_space<hbm>>
    tpu.wait_indirect_dma semaphore(%arg8 : memref<!tpu.dma_semaphore, #tpu.memory_space<semaphore_mem>>) src(%dma_wait3A_53 : memref<8192x256xf32, #tpu.memory_space<hbm>>) dst(%arg6 : memref<128x256xf32, #tpu.memory_space<vmem>>)
    %add3A_54 = arith.constant 256 : i32
    %add3A_55 = arith.addi %mul3A_2, %add3A_54 : i32
    "tpu.region"() ({
      %run_scoped3A = tpu.sem_alloc : memref<!tpu.dma_semaphore, #tpu.memory_space<semaphore_mem>>
      %dma_start3A_65 = arith.constant 0 : i32
      %dma_start3A_66 = tpu.memref_slice %arg4[%add3A_55, %dma_start3A_65] : memref<16384x256xf32, #tpu.memory_space<hbm>> -> memref<128x256xf32, #tpu.memory_space<hbm>>
      %dma_start3A_67 = arith.constant 0 : i32
      %dma_start3A_68 = tpu.memref_slice %arg4[%add3A_55, %dma_start3A_67] : memref<16384x256xf32, #tpu.memory_space<hbm>> -> memref<128x256xf32, #tpu.memory_space<hbm>>
      tpu.enqueue_dma source(%arg6 : memref<128x256xf32, #tpu.memory_space<vmem>>) target(%dma_start3A_68 : memref<128x256xf32, #tpu.memory_space<hbm>>) target_semaphore(%run_scoped3A : memref<!tpu.dma_semaphore, #tpu.memory_space<semaphore_mem>>)
      %dma_wait3A_69 = arith.constant 0 : i32
      %dma_wait3A_70 = tpu.memref_slice %arg4[%add3A_55, %dma_wait3A_69] : memref<16384x256xf32, #tpu.memory_space<hbm>> -> memref<128x256xf32, #tpu.memory_space<hbm>>
      %dma_wait3A_71 = arith.constant 0 : i32
      %dma_wait3A_72 = tpu.memref_slice %arg4[%add3A_55, %dma_wait3A_71] : memref<16384x256xf32, #tpu.memory_space<hbm>> -> memref<128x256xf32, #tpu.memory_space<hbm>>
      tpu.wait_dma2 semaphore(%run_scoped3A : memref<!tpu.dma_semaphore, #tpu.memory_space<semaphore_mem>>) src(%arg6 : memref<128x256xf32, #tpu.memory_space<vmem>>) dst(%dma_wait3A_72 : memref<128x256xf32, #tpu.memory_space<hbm>>)
      tpu.yield
    }) : () -> ()
    %dma_wait3A_56 = arith.constant 3 : i32
    %dma_wait3A_57 = arith.constant 0 : i32
    %dma_wait3A_58 = tpu.memref_slice %arg5[%dma_wait3A_56, %dma_wait3A_57] : memref<4x128xi32, #tpu.memory_space<vmem>> -> memref<1x128xi32, #tpu.memory_space<vmem>>
    %dma_wait3A_59 = tpu.memref_squeeze %dma_wait3A_58 : memref<1x128xi32, #tpu.memory_space<vmem>> -> memref<128xi32, #tpu.memory_space<vmem>>
    %dma_wait3A_60 = arith.constant 0 : i32
    %dma_wait3A_61 = arith.constant 0 : i32
    %dma_wait3A_62 = tpu.memref_slice %arg2[%dma_wait3A_60, %dma_wait3A_61] : memref<8192x256xf32, #tpu.memory_space<hbm>> -> memref<8192x256xf32, #tpu.memory_space<hbm>>
    tpu.wait_indirect_dma semaphore(%arg9 : memref<!tpu.dma_semaphore, #tpu.memory_space<semaphore_mem>>) src(%dma_wait3A_62 : memref<8192x256xf32, #tpu.memory_space<hbm>>) dst(%arg7 : memref<128x256xf32, #tpu.memory_space<vmem>>)
    %add3A_63 = arith.constant 384 : i32
    %add3A_64 = arith.addi %mul3A_2, %add3A_63 : i32
    "tpu.region"() ({
      %run_scoped3A = tpu.sem_alloc : memref<!tpu.dma_semaphore, #tpu.memory_space<semaphore_mem>>
      %dma_start3A_65 = arith.constant 0 : i32
      %dma_start3A_66 = tpu.memref_slice %arg4[%add3A_64, %dma_start3A_65] : memref<16384x256xf32, #tpu.memory_space<hbm>> -> memref<128x256xf32, #tpu.memory_space<hbm>>
      %dma_start3A_67 = arith.constant 0 : i32
      %dma_start3A_68 = tpu.memref_slice %arg4[%add3A_64, %dma_start3A_67] : memref<16384x256xf32, #tpu.memory_space<hbm>> -> memref<128x256xf32, #tpu.memory_space<hbm>>
      tpu.enqueue_dma source(%arg7 : memref<128x256xf32, #tpu.memory_space<vmem>>) target(%dma_start3A_68 : memref<128x256xf32, #tpu.memory_space<hbm>>) target_semaphore(%run_scoped3A : memref<!tpu.dma_semaphore, #tpu.memory_space<semaphore_mem>>)
      %dma_wait3A_69 = arith.constant 0 : i32
      %dma_wait3A_70 = tpu.memref_slice %arg4[%add3A_64, %dma_wait3A_69] : memref<16384x256xf32, #tpu.memory_space<hbm>> -> memref<128x256xf32, #tpu.memory_space<hbm>>
      %dma_wait3A_71 = arith.constant 0 : i32
      %dma_wait3A_72 = tpu.memref_slice %arg4[%add3A_64, %dma_wait3A_71] : memref<16384x256xf32, #tpu.memory_space<hbm>> -> memref<128x256xf32, #tpu.memory_space<hbm>>
      tpu.wait_dma2 semaphore(%run_scoped3A : memref<!tpu.dma_semaphore, #tpu.memory_space<semaphore_mem>>) src(%arg7 : memref<128x256xf32, #tpu.memory_space<vmem>>) dst(%dma_wait3A_72 : memref<128x256xf32, #tpu.memory_space<hbm>>)
      tpu.yield
    }) : () -> ()
    return
  }
}

module attributes {stable_mosaic.version = 14 : i64} {
  func.func @_argmin_body(%arg0: i32, %arg1: memref<512x256xf32, #tpu.memory_space<vmem>>, %arg2: memref<8192x256xf32, #tpu.memory_space<vmem>>, %arg3: memref<512x1xi32, #tpu.memory_space<vmem>>, %arg4: memref<1x1xf32, #tpu.memory_space<smem>>, %arg5: memref<64x128xf32, #tpu.memory_space<vmem>>) attributes {dimension_semantics = [#tpu.dimension_semantics<arbitrary>], iteration_bounds = array<i64: 32>, scalar_prefetch = 0 : i64, scratch_operands = 1 : i64, tpu.core_type = #tpu.core_type<tc>, window_params = [{transform_indices = @transform_0, window_bounds = array<i64: 512, 256>}, {pipeline_mode = #tpu.pipeline_mode<synchronous>, transform_indices = @transform_1, window_bounds = array<i64: 8192, 256>}, {transform_indices = @transform_2, window_bounds = array<i64: 512, 1>}, {transform_indices = @transform_3, window_bounds = array<i64: 1, 1>}]} {
    %eq3A = arith.constant 0 : i32
    %eq3A_0 = arith.cmpi eq, %arg0, %eq3A : i32
    %convert_element_type3A = arith.extui %eq3A_0 : i1 to i32
    %cond3A = arith.constant 0 : i32
    %cond3A_1 = arith.cmpi ne, %convert_element_type3A, %cond3A : i32
    scf.if %cond3A_1 {
      %get3A_769 = arith.constant 0 : index
      %get3A_770 = arith.constant 0 : index
      %get3A_771 = vector.load %arg2[%get3A_769, %get3A_770] : memref<8192x256xf32, #tpu.memory_space<vmem>>, vector<8192x256xf32>
      %mul3A_772 = arith.mulf %get3A_771, %get3A_771 : vector<8192x256xf32>
      %reduce_sum3A_773 = arith.constant dense<0.000000e+00> : vector<8192xf32>
      %reduce_sum3A_774 = vector.multi_reduction <add>, %mul3A_772, %reduce_sum3A_773 [1] : vector<8192x256xf32> to vector<8192xf32>
      %mul3A_775 = arith.constant 5.000000e-01 : f32
      %mul3A_776 = vector.broadcast %mul3A_775 : f32 to vector<8192xf32>
      %mul3A_777 = arith.mulf %mul3A_776, %reduce_sum3A_774 : vector<8192xf32>
      %reshape3A = vector.shape_cast %mul3A_777 : vector<8192xf32> to vector<64x128xf32>
      %swap3A_778 = arith.constant 0 : index
      %swap3A_779 = arith.constant 0 : index
      %swap3A_780 = vector.load %arg5[%swap3A_778, %swap3A_779] : memref<64x128xf32, #tpu.memory_space<vmem>>, vector<64x128xf32>
      tpu.vector_store %arg5[%swap3A_778, %swap3A_779], %reshape3A {strides = array<i32>} : memref<64x128xf32, #tpu.memory_space<vmem>>, vector<64x128xf32>,
    } else {
    }
    %get3A = arith.constant 0 : index
    %get3A_2 = arith.constant 0 : index
    %get3A_3 = vector.load %arg1[%get3A, %get3A_2] : memref<512x256xf32, #tpu.memory_space<vmem>>, vector<512x256xf32>
    %broadcast_in_dim3A = arith.constant 0x7F800000 : f32
    %broadcast_in_dim3A_4 = vector.broadcast %broadcast_in_dim3A : f32 to vector<512x128xf32>
    %broadcast_in_dim3A_5 = arith.constant 0 : i32
    %broadcast_in_dim3A_6 = vector.broadcast %broadcast_in_dim3A_5 : i32 to vector<512x128xi32>
    %get3A_7 = arith.constant 0 : index
    %get3A_8 = arith.constant 0 : index
    %get3A_9 = vector.load %arg2[%get3A_7, %get3A_8] : memref<8192x256xf32, #tpu.memory_space<vmem>>, vector<2048x256xf32>
    %dot_general3A = arith.constant dense<0.000000e+00> : vector<512x2048xf32>
    %dot_general3A_10 = tpu.matmul %get3A_3, %get3A_9, %dot_general3A {dimension_numbers = #tpu.dot_dimension_numbers<[1], [1], [0], [0], [0, 0, 1, 0], [], []>, transpose_lhs_hint = false} : vector<512x256xf32>, vector<2048x256xf32>, vector<512x2048xf32> -> vector<512x2048xf32>
    %get3A_11 = arith.constant 0 : index
    %get3A_12 = arith.constant 0 : index
    %get3A_13 = vector.load %arg5[%get3A_11, %get3A_12] : memref<64x128xf32, #tpu.memory_space<vmem>>, vector<1x128xf32>
    %slice3A = vector.extract_strided_slice %dot_general3A_10 {offsets = [0, 0], sizes = [512, 128], strides = [1, 1]} : vector<512x2048xf32> to vector<512x128xf32>
    %sub3A = vector.broadcast %get3A_13 : vector<1x128xf32> to vector<512x128xf32>
    %sub3A_14 = arith.subf %sub3A, %slice3A : vector<512x128xf32>
    %lt3A = arith.cmpf olt, %sub3A_14, %broadcast_in_dim3A_4 : vector<512x128xf32>
    %select_n3A = arith.select %lt3A, %sub3A_14, %broadcast_in_dim3A_4 : vector<512x128xi1>, vector<512x128xf32>
    %jit3A = arith.constant 0 : i32
    %broadcast_in_dim3A_15 = vector.broadcast %jit3A : i32 to vector<512x128xi32>
    %select_n3A_16 = arith.select %lt3A, %broadcast_in_dim3A_15, %broadcast_in_dim3A_6 : vector<512x128xi1>, vector<512x128xi32>
    %get3A_17 = arith.constant 1 : index
    %get3A_18 = arith.constant 0 : index
    %get3A_19 = vector.load %arg5[%get3A_17, %get3A_18] : memref<64x128xf32, #tpu.memory_space<vmem>>, vector<1x128xf32>
    %slice3A_20 = vector.extract_strided_slice %dot_general3A_10 {offsets = [0, 128], sizes = [512, 128], strides = [1, 1]} : vector<512x2048xf32> to vector<512x128xf32>
    %sub3A_21 = vector.broadcast %get3A_19 : vector<1x128xf32> to vector<512x128xf32>
    %sub3A_22 = arith.subf %sub3A_21, %slice3A_20 : vector<512x128xf32>
    %lt3A_23 = arith.cmpf olt, %sub3A_22, %select_n3A : vector<512x128xf32>
    %select_n3A_24 = arith.select %lt3A_23, %sub3A_22, %select_n3A : vector<512x128xi1>, vector<512x128xf32>
    %jit3A_25 = arith.constant 1 : i32
    %broadcast_in_dim3A_26 = vector.broadcast %jit3A_25 : i32 to vector<512x128xi32>
    %select_n3A_27 = arith.select %lt3A_23, %broadcast_in_dim3A_26, %select_n3A_16 : vector<512x128xi1>, vector<512x128xi32>
    %get3A_28 = arith.constant 2 : index
    %get3A_29 = arith.constant 0 : index
    %get3A_30 = vector.load %arg5[%get3A_28, %get3A_29] : memref<64x128xf32, #tpu.memory_space<vmem>>, vector<1x128xf32>
    %slice3A_31 = vector.extract_strided_slice %dot_general3A_10 {offsets = [0, 256], sizes = [512, 128], strides = [1, 1]} : vector<512x2048xf32> to vector<512x128xf32>
    %sub3A_32 = vector.broadcast %get3A_30 : vector<1x128xf32> to vector<512x128xf32>
    %sub3A_33 = arith.subf %sub3A_32, %slice3A_31 : vector<512x128xf32>
    %lt3A_34 = arith.cmpf olt, %sub3A_33, %select_n3A_24 : vector<512x128xf32>
    %select_n3A_35 = arith.select %lt3A_34, %sub3A_33, %select_n3A_24 : vector<512x128xi1>, vector<512x128xf32>
    %jit3A_36 = arith.constant 2 : i32
    %broadcast_in_dim3A_37 = vector.broadcast %jit3A_36 : i32 to vector<512x128xi32>
    %select_n3A_38 = arith.select %lt3A_34, %broadcast_in_dim3A_37, %select_n3A_27 : vector<512x128xi1>, vector<512x128xi32>
    %get3A_39 = arith.constant 3 : index
    %get3A_40 = arith.constant 0 : index
    %get3A_41 = vector.load %arg5[%get3A_39, %get3A_40] : memref<64x128xf32, #tpu.memory_space<vmem>>, vector<1x128xf32>
    %slice3A_42 = vector.extract_strided_slice %dot_general3A_10 {offsets = [0, 384], sizes = [512, 128], strides = [1, 1]} : vector<512x2048xf32> to vector<512x128xf32>
    %sub3A_43 = vector.broadcast %get3A_41 : vector<1x128xf32> to vector<512x128xf32>
    %sub3A_44 = arith.subf %sub3A_43, %slice3A_42 : vector<512x128xf32>
    %lt3A_45 = arith.cmpf olt, %sub3A_44, %select_n3A_35 : vector<512x128xf32>
    %select_n3A_46 = arith.select %lt3A_45, %sub3A_44, %select_n3A_35 : vector<512x128xi1>, vector<512x128xf32>
    %jit3A_47 = arith.constant 3 : i32
    %broadcast_in_dim3A_48 = vector.broadcast %jit3A_47 : i32 to vector<512x128xi32>
    %select_n3A_49 = arith.select %lt3A_45, %broadcast_in_dim3A_48, %select_n3A_38 : vector<512x128xi1>, vector<512x128xi32>
    %get3A_50 = arith.constant 4 : index
    %get3A_51 = arith.constant 0 : index
    %get3A_52 = vector.load %arg5[%get3A_50, %get3A_51] : memref<64x128xf32, #tpu.memory_space<vmem>>, vector<1x128xf32>
    %slice3A_53 = vector.extract_strided_slice %dot_general3A_10 {offsets = [0, 512], sizes = [512, 128], strides = [1, 1]} : vector<512x2048xf32> to vector<512x128xf32>
    %sub3A_54 = vector.broadcast %get3A_52 : vector<1x128xf32> to vector<512x128xf32>
    %sub3A_55 = arith.subf %sub3A_54, %slice3A_53 : vector<512x128xf32>
    %lt3A_56 = arith.cmpf olt, %sub3A_55, %select_n3A_46 : vector<512x128xf32>
    %select_n3A_57 = arith.select %lt3A_56, %sub3A_55, %select_n3A_46 : vector<512x128xi1>, vector<512x128xf32>
    %jit3A_58 = arith.constant 4 : i32
    %broadcast_in_dim3A_59 = vector.broadcast %jit3A_58 : i32 to vector<512x128xi32>
    %select_n3A_60 = arith.select %lt3A_56, %broadcast_in_dim3A_59, %select_n3A_49 : vector<512x128xi1>, vector<512x128xi32>
    %get3A_61 = arith.constant 5 : index
    %get3A_62 = arith.constant 0 : index
    %get3A_63 = vector.load %arg5[%get3A_61, %get3A_62] : memref<64x128xf32, #tpu.memory_space<vmem>>, vector<1x128xf32>
    %slice3A_64 = vector.extract_strided_slice %dot_general3A_10 {offsets = [0, 640], sizes = [512, 128], strides = [1, 1]} : vector<512x2048xf32> to vector<512x128xf32>
    %sub3A_65 = vector.broadcast %get3A_63 : vector<1x128xf32> to vector<512x128xf32>
    %sub3A_66 = arith.subf %sub3A_65, %slice3A_64 : vector<512x128xf32>
    %lt3A_67 = arith.cmpf olt, %sub3A_66, %select_n3A_57 : vector<512x128xf32>
    %select_n3A_68 = arith.select %lt3A_67, %sub3A_66, %select_n3A_57 : vector<512x128xi1>, vector<512x128xf32>
    %jit3A_69 = arith.constant 5 : i32
    %broadcast_in_dim3A_70 = vector.broadcast %jit3A_69 : i32 to vector<512x128xi32>
    %select_n3A_71 = arith.select %lt3A_67, %broadcast_in_dim3A_70, %select_n3A_60 : vector<512x128xi1>, vector<512x128xi32>
    %get3A_72 = arith.constant 6 : index
    %get3A_73 = arith.constant 0 : index
    %get3A_74 = vector.load %arg5[%get3A_72, %get3A_73] : memref<64x128xf32, #tpu.memory_space<vmem>>, vector<1x128xf32>
    %slice3A_75 = vector.extract_strided_slice %dot_general3A_10 {offsets = [0, 768], sizes = [512, 128], strides = [1, 1]} : vector<512x2048xf32> to vector<512x128xf32>
    %sub3A_76 = vector.broadcast %get3A_74 : vector<1x128xf32> to vector<512x128xf32>
    %sub3A_77 = arith.subf %sub3A_76, %slice3A_75 : vector<512x128xf32>
    %lt3A_78 = arith.cmpf olt, %sub3A_77, %select_n3A_68 : vector<512x128xf32>
    %select_n3A_79 = arith.select %lt3A_78, %sub3A_77, %select_n3A_68 : vector<512x128xi1>, vector<512x128xf32>
    %jit3A_80 = arith.constant 6 : i32
    %broadcast_in_dim3A_81 = vector.broadcast %jit3A_80 : i32 to vector<512x128xi32>
    %select_n3A_82 = arith.select %lt3A_78, %broadcast_in_dim3A_81, %select_n3A_71 : vector<512x128xi1>, vector<512x128xi32>
    %get3A_83 = arith.constant 7 : index
    %get3A_84 = arith.constant 0 : index
    %get3A_85 = vector.load %arg5[%get3A_83, %get3A_84] : memref<64x128xf32, #tpu.memory_space<vmem>>, vector<1x128xf32>
    %slice3A_86 = vector.extract_strided_slice %dot_general3A_10 {offsets = [0, 896], sizes = [512, 128], strides = [1, 1]} : vector<512x2048xf32> to vector<512x128xf32>
    %sub3A_87 = vector.broadcast %get3A_85 : vector<1x128xf32> to vector<512x128xf32>
    %sub3A_88 = arith.subf %sub3A_87, %slice3A_86 : vector<512x128xf32>
    %lt3A_89 = arith.cmpf olt, %sub3A_88, %select_n3A_79 : vector<512x128xf32>
    %select_n3A_90 = arith.select %lt3A_89, %sub3A_88, %select_n3A_79 : vector<512x128xi1>, vector<512x128xf32>
    %jit3A_91 = arith.constant 7 : i32
    %broadcast_in_dim3A_92 = vector.broadcast %jit3A_91 : i32 to vector<512x128xi32>
    %select_n3A_93 = arith.select %lt3A_89, %broadcast_in_dim3A_92, %select_n3A_82 : vector<512x128xi1>, vector<512x128xi32>
    %get3A_94 = arith.constant 8 : index
    %get3A_95 = arith.constant 0 : index
    %get3A_96 = vector.load %arg5[%get3A_94, %get3A_95] : memref<64x128xf32, #tpu.memory_space<vmem>>, vector<1x128xf32>
    %slice3A_97 = vector.extract_strided_slice %dot_general3A_10 {offsets = [0, 1024], sizes = [512, 128], strides = [1, 1]} : vector<512x2048xf32> to vector<512x128xf32>
    %sub3A_98 = vector.broadcast %get3A_96 : vector<1x128xf32> to vector<512x128xf32>
    %sub3A_99 = arith.subf %sub3A_98, %slice3A_97 : vector<512x128xf32>
    %lt3A_100 = arith.cmpf olt, %sub3A_99, %select_n3A_90 : vector<512x128xf32>
    %select_n3A_101 = arith.select %lt3A_100, %sub3A_99, %select_n3A_90 : vector<512x128xi1>, vector<512x128xf32>
    %jit3A_102 = arith.constant 8 : i32
    %broadcast_in_dim3A_103 = vector.broadcast %jit3A_102 : i32 to vector<512x128xi32>
    %select_n3A_104 = arith.select %lt3A_100, %broadcast_in_dim3A_103, %select_n3A_93 : vector<512x128xi1>, vector<512x128xi32>
    %get3A_105 = arith.constant 9 : index
    %get3A_106 = arith.constant 0 : index
    %get3A_107 = vector.load %arg5[%get3A_105, %get3A_106] : memref<64x128xf32, #tpu.memory_space<vmem>>, vector<1x128xf32>
    %slice3A_108 = vector.extract_strided_slice %dot_general3A_10 {offsets = [0, 1152], sizes = [512, 128], strides = [1, 1]} : vector<512x2048xf32> to vector<512x128xf32>
    %sub3A_109 = vector.broadcast %get3A_107 : vector<1x128xf32> to vector<512x128xf32>
    %sub3A_110 = arith.subf %sub3A_109, %slice3A_108 : vector<512x128xf32>
    %lt3A_111 = arith.cmpf olt, %sub3A_110, %select_n3A_101 : vector<512x128xf32>
    %select_n3A_112 = arith.select %lt3A_111, %sub3A_110, %select_n3A_101 : vector<512x128xi1>, vector<512x128xf32>
    %jit3A_113 = arith.constant 9 : i32
    %broadcast_in_dim3A_114 = vector.broadcast %jit3A_113 : i32 to vector<512x128xi32>
    %select_n3A_115 = arith.select %lt3A_111, %broadcast_in_dim3A_114, %select_n3A_104 : vector<512x128xi1>, vector<512x128xi32>
    %get3A_116 = arith.constant 10 : index
    %get3A_117 = arith.constant 0 : index
    %get3A_118 = vector.load %arg5[%get3A_116, %get3A_117] : memref<64x128xf32, #tpu.memory_space<vmem>>, vector<1x128xf32>
    %slice3A_119 = vector.extract_strided_slice %dot_general3A_10 {offsets = [0, 1280], sizes = [512, 128], strides = [1, 1]} : vector<512x2048xf32> to vector<512x128xf32>
    %sub3A_120 = vector.broadcast %get3A_118 : vector<1x128xf32> to vector<512x128xf32>
    %sub3A_121 = arith.subf %sub3A_120, %slice3A_119 : vector<512x128xf32>
    %lt3A_122 = arith.cmpf olt, %sub3A_121, %select_n3A_112 : vector<512x128xf32>
    %select_n3A_123 = arith.select %lt3A_122, %sub3A_121, %select_n3A_112 : vector<512x128xi1>, vector<512x128xf32>
    %jit3A_124 = arith.constant 10 : i32
    %broadcast_in_dim3A_125 = vector.broadcast %jit3A_124 : i32 to vector<512x128xi32>
    %select_n3A_126 = arith.select %lt3A_122, %broadcast_in_dim3A_125, %select_n3A_115 : vector<512x128xi1>, vector<512x128xi32>
    %get3A_127 = arith.constant 11 : index
    %get3A_128 = arith.constant 0 : index
    %get3A_129 = vector.load %arg5[%get3A_127, %get3A_128] : memref<64x128xf32, #tpu.memory_space<vmem>>, vector<1x128xf32>
    %slice3A_130 = vector.extract_strided_slice %dot_general3A_10 {offsets = [0, 1408], sizes = [512, 128], strides = [1, 1]} : vector<512x2048xf32> to vector<512x128xf32>
    %sub3A_131 = vector.broadcast %get3A_129 : vector<1x128xf32> to vector<512x128xf32>
    %sub3A_132 = arith.subf %sub3A_131, %slice3A_130 : vector<512x128xf32>
    %lt3A_133 = arith.cmpf olt, %sub3A_132, %select_n3A_123 : vector<512x128xf32>
    %select_n3A_134 = arith.select %lt3A_133, %sub3A_132, %select_n3A_123 : vector<512x128xi1>, vector<512x128xf32>
    %jit3A_135 = arith.constant 11 : i32
    %broadcast_in_dim3A_136 = vector.broadcast %jit3A_135 : i32 to vector<512x128xi32>
    %select_n3A_137 = arith.select %lt3A_133, %broadcast_in_dim3A_136, %select_n3A_126 : vector<512x128xi1>, vector<512x128xi32>
    %get3A_138 = arith.constant 12 : index
    %get3A_139 = arith.constant 0 : index
    %get3A_140 = vector.load %arg5[%get3A_138, %get3A_139] : memref<64x128xf32, #tpu.memory_space<vmem>>, vector<1x128xf32>
    %slice3A_141 = vector.extract_strided_slice %dot_general3A_10 {offsets = [0, 1536], sizes = [512, 128], strides = [1, 1]} : vector<512x2048xf32> to vector<512x128xf32>
    %sub3A_142 = vector.broadcast %get3A_140 : vector<1x128xf32> to vector<512x128xf32>
    %sub3A_143 = arith.subf %sub3A_142, %slice3A_141 : vector<512x128xf32>
    %lt3A_144 = arith.cmpf olt, %sub3A_143, %select_n3A_134 : vector<512x128xf32>
    %select_n3A_145 = arith.select %lt3A_144, %sub3A_143, %select_n3A_134 : vector<512x128xi1>, vector<512x128xf32>
    %jit3A_146 = arith.constant 12 : i32
    %broadcast_in_dim3A_147 = vector.broadcast %jit3A_146 : i32 to vector<512x128xi32>
    %select_n3A_148 = arith.select %lt3A_144, %broadcast_in_dim3A_147, %select_n3A_137 : vector<512x128xi1>, vector<512x128xi32>
    %get3A_149 = arith.constant 13 : index
    %get3A_150 = arith.constant 0 : index
    %get3A_151 = vector.load %arg5[%get3A_149, %get3A_150] : memref<64x128xf32, #tpu.memory_space<vmem>>, vector<1x128xf32>
    %slice3A_152 = vector.extract_strided_slice %dot_general3A_10 {offsets = [0, 1664], sizes = [512, 128], strides = [1, 1]} : vector<512x2048xf32> to vector<512x128xf32>
    %sub3A_153 = vector.broadcast %get3A_151 : vector<1x128xf32> to vector<512x128xf32>
    %sub3A_154 = arith.subf %sub3A_153, %slice3A_152 : vector<512x128xf32>
    %lt3A_155 = arith.cmpf olt, %sub3A_154, %select_n3A_145 : vector<512x128xf32>
    %select_n3A_156 = arith.select %lt3A_155, %sub3A_154, %select_n3A_145 : vector<512x128xi1>, vector<512x128xf32>
    %jit3A_157 = arith.constant 13 : i32
    %broadcast_in_dim3A_158 = vector.broadcast %jit3A_157 : i32 to vector<512x128xi32>
    %select_n3A_159 = arith.select %lt3A_155, %broadcast_in_dim3A_158, %select_n3A_148 : vector<512x128xi1>, vector<512x128xi32>
    %get3A_160 = arith.constant 14 : index
    %get3A_161 = arith.constant 0 : index
    %get3A_162 = vector.load %arg5[%get3A_160, %get3A_161] : memref<64x128xf32, #tpu.memory_space<vmem>>, vector<1x128xf32>
    %slice3A_163 = vector.extract_strided_slice %dot_general3A_10 {offsets = [0, 1792], sizes = [512, 128], strides = [1, 1]} : vector<512x2048xf32> to vector<512x128xf32>
    %sub3A_164 = vector.broadcast %get3A_162 : vector<1x128xf32> to vector<512x128xf32>
    %sub3A_165 = arith.subf %sub3A_164, %slice3A_163 : vector<512x128xf32>
    %lt3A_166 = arith.cmpf olt, %sub3A_165, %select_n3A_156 : vector<512x128xf32>
    %select_n3A_167 = arith.select %lt3A_166, %sub3A_165, %select_n3A_156 : vector<512x128xi1>, vector<512x128xf32>
    %jit3A_168 = arith.constant 14 : i32
    %broadcast_in_dim3A_169 = vector.broadcast %jit3A_168 : i32 to vector<512x128xi32>
    %select_n3A_170 = arith.select %lt3A_166, %broadcast_in_dim3A_169, %select_n3A_159 : vector<512x128xi1>, vector<512x128xi32>
    %get3A_171 = arith.constant 15 : index
    %get3A_172 = arith.constant 0 : index
    %get3A_173 = vector.load %arg5[%get3A_171, %get3A_172] : memref<64x128xf32, #tpu.memory_space<vmem>>, vector<1x128xf32>
    %slice3A_174 = vector.extract_strided_slice %dot_general3A_10 {offsets = [0, 1920], sizes = [512, 128], strides = [1, 1]} : vector<512x2048xf32> to vector<512x128xf32>
    %sub3A_175 = vector.broadcast %get3A_173 : vector<1x128xf32> to vector<512x128xf32>
    %sub3A_176 = arith.subf %sub3A_175, %slice3A_174 : vector<512x128xf32>
    %lt3A_177 = arith.cmpf olt, %sub3A_176, %select_n3A_167 : vector<512x128xf32>
    %select_n3A_178 = arith.select %lt3A_177, %sub3A_176, %select_n3A_167 : vector<512x128xi1>, vector<512x128xf32>
    %jit3A_179 = arith.constant 15 : i32
    %broadcast_in_dim3A_180 = vector.broadcast %jit3A_179 : i32 to vector<512x128xi32>
    %select_n3A_181 = arith.select %lt3A_177, %broadcast_in_dim3A_180, %select_n3A_170 : vector<512x128xi1>, vector<512x128xi32>
    %get3A_182 = arith.constant 2048 : index
    %get3A_183 = arith.constant 0 : index
    %get3A_184 = vector.load %arg2[%get3A_182, %get3A_183] : memref<8192x256xf32, #tpu.memory_space<vmem>>, vector<2048x256xf32>
    %dot_general3A_185 = arith.constant dense<0.000000e+00> : vector<512x2048xf32>
    %dot_general3A_186 = tpu.matmul %get3A_3, %get3A_184, %dot_general3A_185 {dimension_numbers = #tpu.dot_dimension_numbers<[1], [1], [0], [0], [0, 0, 1, 0], [], []>, transpose_lhs_hint = false} : vector<512x256xf32>, vector<2048x256xf32>, vector<512x2048xf32> -> vector<512x2048xf32>
    %get3A_187 = arith.constant 16 : index
    %get3A_188 = arith.constant 0 : index
    %get3A_189 = vector.load %arg5[%get3A_187, %get3A_188] : memref<64x128xf32, #tpu.memory_space<vmem>>, vector<1x128xf32>
    %slice3A_190 = vector.extract_strided_slice %dot_general3A_186 {offsets = [0, 0], sizes = [512, 128], strides = [1, 1]} : vector<512x2048xf32> to vector<512x128xf32>
    %sub3A_191 = vector.broadcast %get3A_189 : vector<1x128xf32> to vector<512x128xf32>
    %sub3A_192 = arith.subf %sub3A_191, %slice3A_190 : vector<512x128xf32>
    %lt3A_193 = arith.cmpf olt, %sub3A_192, %select_n3A_178 : vector<512x128xf32>
    %select_n3A_194 = arith.select %lt3A_193, %sub3A_192, %select_n3A_178 : vector<512x128xi1>, vector<512x128xf32>
    %jit3A_195 = arith.constant 16 : i32
    %broadcast_in_dim3A_196 = vector.broadcast %jit3A_195 : i32 to vector<512x128xi32>
    %select_n3A_197 = arith.select %lt3A_193, %broadcast_in_dim3A_196, %select_n3A_181 : vector<512x128xi1>, vector<512x128xi32>
    %get3A_198 = arith.constant 17 : index
    %get3A_199 = arith.constant 0 : index
    %get3A_200 = vector.load %arg5[%get3A_198, %get3A_199] : memref<64x128xf32, #tpu.memory_space<vmem>>, vector<1x128xf32>
    %slice3A_201 = vector.extract_strided_slice %dot_general3A_186 {offsets = [0, 128], sizes = [512, 128], strides = [1, 1]} : vector<512x2048xf32> to vector<512x128xf32>
    %sub3A_202 = vector.broadcast %get3A_200 : vector<1x128xf32> to vector<512x128xf32>
    %sub3A_203 = arith.subf %sub3A_202, %slice3A_201 : vector<512x128xf32>
    %lt3A_204 = arith.cmpf olt, %sub3A_203, %select_n3A_194 : vector<512x128xf32>
    %select_n3A_205 = arith.select %lt3A_204, %sub3A_203, %select_n3A_194 : vector<512x128xi1>, vector<512x128xf32>
    %jit3A_206 = arith.constant 17 : i32
    %broadcast_in_dim3A_207 = vector.broadcast %jit3A_206 : i32 to vector<512x128xi32>
    %select_n3A_208 = arith.select %lt3A_204, %broadcast_in_dim3A_207, %select_n3A_197 : vector<512x128xi1>, vector<512x128xi32>
    %get3A_209 = arith.constant 18 : index
    %get3A_210 = arith.constant 0 : index
    %get3A_211 = vector.load %arg5[%get3A_209, %get3A_210] : memref<64x128xf32, #tpu.memory_space<vmem>>, vector<1x128xf32>
    %slice3A_212 = vector.extract_strided_slice %dot_general3A_186 {offsets = [0, 256], sizes = [512, 128], strides = [1, 1]} : vector<512x2048xf32> to vector<512x128xf32>
    %sub3A_213 = vector.broadcast %get3A_211 : vector<1x128xf32> to vector<512x128xf32>
    %sub3A_214 = arith.subf %sub3A_213, %slice3A_212 : vector<512x128xf32>
    %lt3A_215 = arith.cmpf olt, %sub3A_214, %select_n3A_205 : vector<512x128xf32>
    %select_n3A_216 = arith.select %lt3A_215, %sub3A_214, %select_n3A_205 : vector<512x128xi1>, vector<512x128xf32>
    %jit3A_217 = arith.constant 18 : i32
    %broadcast_in_dim3A_218 = vector.broadcast %jit3A_217 : i32 to vector<512x128xi32>
    %select_n3A_219 = arith.select %lt3A_215, %broadcast_in_dim3A_218, %select_n3A_208 : vector<512x128xi1>, vector<512x128xi32>
    %get3A_220 = arith.constant 19 : index
    %get3A_221 = arith.constant 0 : index
    %get3A_222 = vector.load %arg5[%get3A_220, %get3A_221] : memref<64x128xf32, #tpu.memory_space<vmem>>, vector<1x128xf32>
    %slice3A_223 = vector.extract_strided_slice %dot_general3A_186 {offsets = [0, 384], sizes = [512, 128], strides = [1, 1]} : vector<512x2048xf32> to vector<512x128xf32>
    %sub3A_224 = vector.broadcast %get3A_222 : vector<1x128xf32> to vector<512x128xf32>
    %sub3A_225 = arith.subf %sub3A_224, %slice3A_223 : vector<512x128xf32>
    %lt3A_226 = arith.cmpf olt, %sub3A_225, %select_n3A_216 : vector<512x128xf32>
    %select_n3A_227 = arith.select %lt3A_226, %sub3A_225, %select_n3A_216 : vector<512x128xi1>, vector<512x128xf32>
    %jit3A_228 = arith.constant 19 : i32
    %broadcast_in_dim3A_229 = vector.broadcast %jit3A_228 : i32 to vector<512x128xi32>
    %select_n3A_230 = arith.select %lt3A_226, %broadcast_in_dim3A_229, %select_n3A_219 : vector<512x128xi1>, vector<512x128xi32>
    %get3A_231 = arith.constant 20 : index
    %get3A_232 = arith.constant 0 : index
    %get3A_233 = vector.load %arg5[%get3A_231, %get3A_232] : memref<64x128xf32, #tpu.memory_space<vmem>>, vector<1x128xf32>
    %slice3A_234 = vector.extract_strided_slice %dot_general3A_186 {offsets = [0, 512], sizes = [512, 128], strides = [1, 1]} : vector<512x2048xf32> to vector<512x128xf32>
    %sub3A_235 = vector.broadcast %get3A_233 : vector<1x128xf32> to vector<512x128xf32>
    %sub3A_236 = arith.subf %sub3A_235, %slice3A_234 : vector<512x128xf32>
    %lt3A_237 = arith.cmpf olt, %sub3A_236, %select_n3A_227 : vector<512x128xf32>
    %select_n3A_238 = arith.select %lt3A_237, %sub3A_236, %select_n3A_227 : vector<512x128xi1>, vector<512x128xf32>
    %jit3A_239 = arith.constant 20 : i32
    %broadcast_in_dim3A_240 = vector.broadcast %jit3A_239 : i32 to vector<512x128xi32>
    %select_n3A_241 = arith.select %lt3A_237, %broadcast_in_dim3A_240, %select_n3A_230 : vector<512x128xi1>, vector<512x128xi32>
    %get3A_242 = arith.constant 21 : index
    %get3A_243 = arith.constant 0 : index
    %get3A_244 = vector.load %arg5[%get3A_242, %get3A_243] : memref<64x128xf32, #tpu.memory_space<vmem>>, vector<1x128xf32>
    %slice3A_245 = vector.extract_strided_slice %dot_general3A_186 {offsets = [0, 640], sizes = [512, 128], strides = [1, 1]} : vector<512x2048xf32> to vector<512x128xf32>
    %sub3A_246 = vector.broadcast %get3A_244 : vector<1x128xf32> to vector<512x128xf32>
    %sub3A_247 = arith.subf %sub3A_246, %slice3A_245 : vector<512x128xf32>
    %lt3A_248 = arith.cmpf olt, %sub3A_247, %select_n3A_238 : vector<512x128xf32>
    %select_n3A_249 = arith.select %lt3A_248, %sub3A_247, %select_n3A_238 : vector<512x128xi1>, vector<512x128xf32>
    %jit3A_250 = arith.constant 21 : i32
    %broadcast_in_dim3A_251 = vector.broadcast %jit3A_250 : i32 to vector<512x128xi32>
    %select_n3A_252 = arith.select %lt3A_248, %broadcast_in_dim3A_251, %select_n3A_241 : vector<512x128xi1>, vector<512x128xi32>
    %get3A_253 = arith.constant 22 : index
    %get3A_254 = arith.constant 0 : index
    %get3A_255 = vector.load %arg5[%get3A_253, %get3A_254] : memref<64x128xf32, #tpu.memory_space<vmem>>, vector<1x128xf32>
    %slice3A_256 = vector.extract_strided_slice %dot_general3A_186 {offsets = [0, 768], sizes = [512, 128], strides = [1, 1]} : vector<512x2048xf32> to vector<512x128xf32>
    %sub3A_257 = vector.broadcast %get3A_255 : vector<1x128xf32> to vector<512x128xf32>
    %sub3A_258 = arith.subf %sub3A_257, %slice3A_256 : vector<512x128xf32>
    %lt3A_259 = arith.cmpf olt, %sub3A_258, %select_n3A_249 : vector<512x128xf32>
    %select_n3A_260 = arith.select %lt3A_259, %sub3A_258, %select_n3A_249 : vector<512x128xi1>, vector<512x128xf32>
    %jit3A_261 = arith.constant 22 : i32
    %broadcast_in_dim3A_262 = vector.broadcast %jit3A_261 : i32 to vector<512x128xi32>
    %select_n3A_263 = arith.select %lt3A_259, %broadcast_in_dim3A_262, %select_n3A_252 : vector<512x128xi1>, vector<512x128xi32>
    %get3A_264 = arith.constant 23 : index
    %get3A_265 = arith.constant 0 : index
    %get3A_266 = vector.load %arg5[%get3A_264, %get3A_265] : memref<64x128xf32, #tpu.memory_space<vmem>>, vector<1x128xf32>
    %slice3A_267 = vector.extract_strided_slice %dot_general3A_186 {offsets = [0, 896], sizes = [512, 128], strides = [1, 1]} : vector<512x2048xf32> to vector<512x128xf32>
    %sub3A_268 = vector.broadcast %get3A_266 : vector<1x128xf32> to vector<512x128xf32>
    %sub3A_269 = arith.subf %sub3A_268, %slice3A_267 : vector<512x128xf32>
    %lt3A_270 = arith.cmpf olt, %sub3A_269, %select_n3A_260 : vector<512x128xf32>
    %select_n3A_271 = arith.select %lt3A_270, %sub3A_269, %select_n3A_260 : vector<512x128xi1>, vector<512x128xf32>
    %jit3A_272 = arith.constant 23 : i32
    %broadcast_in_dim3A_273 = vector.broadcast %jit3A_272 : i32 to vector<512x128xi32>
    %select_n3A_274 = arith.select %lt3A_270, %broadcast_in_dim3A_273, %select_n3A_263 : vector<512x128xi1>, vector<512x128xi32>
    %get3A_275 = arith.constant 24 : index
    %get3A_276 = arith.constant 0 : index
    %get3A_277 = vector.load %arg5[%get3A_275, %get3A_276] : memref<64x128xf32, #tpu.memory_space<vmem>>, vector<1x128xf32>
    %slice3A_278 = vector.extract_strided_slice %dot_general3A_186 {offsets = [0, 1024], sizes = [512, 128], strides = [1, 1]} : vector<512x2048xf32> to vector<512x128xf32>
    %sub3A_279 = vector.broadcast %get3A_277 : vector<1x128xf32> to vector<512x128xf32>
    %sub3A_280 = arith.subf %sub3A_279, %slice3A_278 : vector<512x128xf32>
    %lt3A_281 = arith.cmpf olt, %sub3A_280, %select_n3A_271 : vector<512x128xf32>
    %select_n3A_282 = arith.select %lt3A_281, %sub3A_280, %select_n3A_271 : vector<512x128xi1>, vector<512x128xf32>
    %jit3A_283 = arith.constant 24 : i32
    %broadcast_in_dim3A_284 = vector.broadcast %jit3A_283 : i32 to vector<512x128xi32>
    %select_n3A_285 = arith.select %lt3A_281, %broadcast_in_dim3A_284, %select_n3A_274 : vector<512x128xi1>, vector<512x128xi32>
    %get3A_286 = arith.constant 25 : index
    %get3A_287 = arith.constant 0 : index
    %get3A_288 = vector.load %arg5[%get3A_286, %get3A_287] : memref<64x128xf32, #tpu.memory_space<vmem>>, vector<1x128xf32>
    %slice3A_289 = vector.extract_strided_slice %dot_general3A_186 {offsets = [0, 1152], sizes = [512, 128], strides = [1, 1]} : vector<512x2048xf32> to vector<512x128xf32>
    %sub3A_290 = vector.broadcast %get3A_288 : vector<1x128xf32> to vector<512x128xf32>
    %sub3A_291 = arith.subf %sub3A_290, %slice3A_289 : vector<512x128xf32>
    %lt3A_292 = arith.cmpf olt, %sub3A_291, %select_n3A_282 : vector<512x128xf32>
    %select_n3A_293 = arith.select %lt3A_292, %sub3A_291, %select_n3A_282 : vector<512x128xi1>, vector<512x128xf32>
    %jit3A_294 = arith.constant 25 : i32
    %broadcast_in_dim3A_295 = vector.broadcast %jit3A_294 : i32 to vector<512x128xi32>
    %select_n3A_296 = arith.select %lt3A_292, %broadcast_in_dim3A_295, %select_n3A_285 : vector<512x128xi1>, vector<512x128xi32>
    %get3A_297 = arith.constant 26 : index
    %get3A_298 = arith.constant 0 : index
    %get3A_299 = vector.load %arg5[%get3A_297, %get3A_298] : memref<64x128xf32, #tpu.memory_space<vmem>>, vector<1x128xf32>
    %slice3A_300 = vector.extract_strided_slice %dot_general3A_186 {offsets = [0, 1280], sizes = [512, 128], strides = [1, 1]} : vector<512x2048xf32> to vector<512x128xf32>
    %sub3A_301 = vector.broadcast %get3A_299 : vector<1x128xf32> to vector<512x128xf32>
    %sub3A_302 = arith.subf %sub3A_301, %slice3A_300 : vector<512x128xf32>
    %lt3A_303 = arith.cmpf olt, %sub3A_302, %select_n3A_293 : vector<512x128xf32>
    %select_n3A_304 = arith.select %lt3A_303, %sub3A_302, %select_n3A_293 : vector<512x128xi1>, vector<512x128xf32>
    %jit3A_305 = arith.constant 26 : i32
    %broadcast_in_dim3A_306 = vector.broadcast %jit3A_305 : i32 to vector<512x128xi32>
    %select_n3A_307 = arith.select %lt3A_303, %broadcast_in_dim3A_306, %select_n3A_296 : vector<512x128xi1>, vector<512x128xi32>
    %get3A_308 = arith.constant 27 : index
    %get3A_309 = arith.constant 0 : index
    %get3A_310 = vector.load %arg5[%get3A_308, %get3A_309] : memref<64x128xf32, #tpu.memory_space<vmem>>, vector<1x128xf32>
    %slice3A_311 = vector.extract_strided_slice %dot_general3A_186 {offsets = [0, 1408], sizes = [512, 128], strides = [1, 1]} : vector<512x2048xf32> to vector<512x128xf32>
    %sub3A_312 = vector.broadcast %get3A_310 : vector<1x128xf32> to vector<512x128xf32>
    %sub3A_313 = arith.subf %sub3A_312, %slice3A_311 : vector<512x128xf32>
    %lt3A_314 = arith.cmpf olt, %sub3A_313, %select_n3A_304 : vector<512x128xf32>
    %select_n3A_315 = arith.select %lt3A_314, %sub3A_313, %select_n3A_304 : vector<512x128xi1>, vector<512x128xf32>
    %jit3A_316 = arith.constant 27 : i32
    %broadcast_in_dim3A_317 = vector.broadcast %jit3A_316 : i32 to vector<512x128xi32>
    %select_n3A_318 = arith.select %lt3A_314, %broadcast_in_dim3A_317, %select_n3A_307 : vector<512x128xi1>, vector<512x128xi32>
    %get3A_319 = arith.constant 28 : index
    %get3A_320 = arith.constant 0 : index
    %get3A_321 = vector.load %arg5[%get3A_319, %get3A_320] : memref<64x128xf32, #tpu.memory_space<vmem>>, vector<1x128xf32>
    %slice3A_322 = vector.extract_strided_slice %dot_general3A_186 {offsets = [0, 1536], sizes = [512, 128], strides = [1, 1]} : vector<512x2048xf32> to vector<512x128xf32>
    %sub3A_323 = vector.broadcast %get3A_321 : vector<1x128xf32> to vector<512x128xf32>
    %sub3A_324 = arith.subf %sub3A_323, %slice3A_322 : vector<512x128xf32>
    %lt3A_325 = arith.cmpf olt, %sub3A_324, %select_n3A_315 : vector<512x128xf32>
    %select_n3A_326 = arith.select %lt3A_325, %sub3A_324, %select_n3A_315 : vector<512x128xi1>, vector<512x128xf32>
    %jit3A_327 = arith.constant 28 : i32
    %broadcast_in_dim3A_328 = vector.broadcast %jit3A_327 : i32 to vector<512x128xi32>
    %select_n3A_329 = arith.select %lt3A_325, %broadcast_in_dim3A_328, %select_n3A_318 : vector<512x128xi1>, vector<512x128xi32>
    %get3A_330 = arith.constant 29 : index
    %get3A_331 = arith.constant 0 : index
    %get3A_332 = vector.load %arg5[%get3A_330, %get3A_331] : memref<64x128xf32, #tpu.memory_space<vmem>>, vector<1x128xf32>
    %slice3A_333 = vector.extract_strided_slice %dot_general3A_186 {offsets = [0, 1664], sizes = [512, 128], strides = [1, 1]} : vector<512x2048xf32> to vector<512x128xf32>
    %sub3A_334 = vector.broadcast %get3A_332 : vector<1x128xf32> to vector<512x128xf32>
    %sub3A_335 = arith.subf %sub3A_334, %slice3A_333 : vector<512x128xf32>
    %lt3A_336 = arith.cmpf olt, %sub3A_335, %select_n3A_326 : vector<512x128xf32>
    %select_n3A_337 = arith.select %lt3A_336, %sub3A_335, %select_n3A_326 : vector<512x128xi1>, vector<512x128xf32>
    %jit3A_338 = arith.constant 29 : i32
    %broadcast_in_dim3A_339 = vector.broadcast %jit3A_338 : i32 to vector<512x128xi32>
    %select_n3A_340 = arith.select %lt3A_336, %broadcast_in_dim3A_339, %select_n3A_329 : vector<512x128xi1>, vector<512x128xi32>
    %get3A_341 = arith.constant 30 : index
    %get3A_342 = arith.constant 0 : index
    %get3A_343 = vector.load %arg5[%get3A_341, %get3A_342] : memref<64x128xf32, #tpu.memory_space<vmem>>, vector<1x128xf32>
    %slice3A_344 = vector.extract_strided_slice %dot_general3A_186 {offsets = [0, 1792], sizes = [512, 128], strides = [1, 1]} : vector<512x2048xf32> to vector<512x128xf32>
    %sub3A_345 = vector.broadcast %get3A_343 : vector<1x128xf32> to vector<512x128xf32>
    %sub3A_346 = arith.subf %sub3A_345, %slice3A_344 : vector<512x128xf32>
    %lt3A_347 = arith.cmpf olt, %sub3A_346, %select_n3A_337 : vector<512x128xf32>
    %select_n3A_348 = arith.select %lt3A_347, %sub3A_346, %select_n3A_337 : vector<512x128xi1>, vector<512x128xf32>
    %jit3A_349 = arith.constant 30 : i32
    %broadcast_in_dim3A_350 = vector.broadcast %jit3A_349 : i32 to vector<512x128xi32>
    %select_n3A_351 = arith.select %lt3A_347, %broadcast_in_dim3A_350, %select_n3A_340 : vector<512x128xi1>, vector<512x128xi32>
    %get3A_352 = arith.constant 31 : index
    %get3A_353 = arith.constant 0 : index
    %get3A_354 = vector.load %arg5[%get3A_352, %get3A_353] : memref<64x128xf32, #tpu.memory_space<vmem>>, vector<1x128xf32>
    %slice3A_355 = vector.extract_strided_slice %dot_general3A_186 {offsets = [0, 1920], sizes = [512, 128], strides = [1, 1]} : vector<512x2048xf32> to vector<512x128xf32>
    %sub3A_356 = vector.broadcast %get3A_354 : vector<1x128xf32> to vector<512x128xf32>
    %sub3A_357 = arith.subf %sub3A_356, %slice3A_355 : vector<512x128xf32>
    %lt3A_358 = arith.cmpf olt, %sub3A_357, %select_n3A_348 : vector<512x128xf32>
    %select_n3A_359 = arith.select %lt3A_358, %sub3A_357, %select_n3A_348 : vector<512x128xi1>, vector<512x128xf32>
    %jit3A_360 = arith.constant 31 : i32
    %broadcast_in_dim3A_361 = vector.broadcast %jit3A_360 : i32 to vector<512x128xi32>
    %select_n3A_362 = arith.select %lt3A_358, %broadcast_in_dim3A_361, %select_n3A_351 : vector<512x128xi1>, vector<512x128xi32>
    %get3A_363 = arith.constant 4096 : index
    %get3A_364 = arith.constant 0 : index
    %get3A_365 = vector.load %arg2[%get3A_363, %get3A_364] : memref<8192x256xf32, #tpu.memory_space<vmem>>, vector<2048x256xf32>
    %dot_general3A_366 = arith.constant dense<0.000000e+00> : vector<512x2048xf32>
    %dot_general3A_367 = tpu.matmul %get3A_3, %get3A_365, %dot_general3A_366 {dimension_numbers = #tpu.dot_dimension_numbers<[1], [1], [0], [0], [0, 0, 1, 0], [], []>, transpose_lhs_hint = false} : vector<512x256xf32>, vector<2048x256xf32>, vector<512x2048xf32> -> vector<512x2048xf32>
    %get3A_368 = arith.constant 32 : index
    %get3A_369 = arith.constant 0 : index
    %get3A_370 = vector.load %arg5[%get3A_368, %get3A_369] : memref<64x128xf32, #tpu.memory_space<vmem>>, vector<1x128xf32>
    %slice3A_371 = vector.extract_strided_slice %dot_general3A_367 {offsets = [0, 0], sizes = [512, 128], strides = [1, 1]} : vector<512x2048xf32> to vector<512x128xf32>
    %sub3A_372 = vector.broadcast %get3A_370 : vector<1x128xf32> to vector<512x128xf32>
    %sub3A_373 = arith.subf %sub3A_372, %slice3A_371 : vector<512x128xf32>
    %lt3A_374 = arith.cmpf olt, %sub3A_373, %select_n3A_359 : vector<512x128xf32>
    %select_n3A_375 = arith.select %lt3A_374, %sub3A_373, %select_n3A_359 : vector<512x128xi1>, vector<512x128xf32>
    %jit3A_376 = arith.constant 32 : i32
    %broadcast_in_dim3A_377 = vector.broadcast %jit3A_376 : i32 to vector<512x128xi32>
    %select_n3A_378 = arith.select %lt3A_374, %broadcast_in_dim3A_377, %select_n3A_362 : vector<512x128xi1>, vector<512x128xi32>
    %get3A_379 = arith.constant 33 : index
    %get3A_380 = arith.constant 0 : index
    %get3A_381 = vector.load %arg5[%get3A_379, %get3A_380] : memref<64x128xf32, #tpu.memory_space<vmem>>, vector<1x128xf32>
    %slice3A_382 = vector.extract_strided_slice %dot_general3A_367 {offsets = [0, 128], sizes = [512, 128], strides = [1, 1]} : vector<512x2048xf32> to vector<512x128xf32>
    %sub3A_383 = vector.broadcast %get3A_381 : vector<1x128xf32> to vector<512x128xf32>
    %sub3A_384 = arith.subf %sub3A_383, %slice3A_382 : vector<512x128xf32>
    %lt3A_385 = arith.cmpf olt, %sub3A_384, %select_n3A_375 : vector<512x128xf32>
    %select_n3A_386 = arith.select %lt3A_385, %sub3A_384, %select_n3A_375 : vector<512x128xi1>, vector<512x128xf32>
    %jit3A_387 = arith.constant 33 : i32
    %broadcast_in_dim3A_388 = vector.broadcast %jit3A_387 : i32 to vector<512x128xi32>
    %select_n3A_389 = arith.select %lt3A_385, %broadcast_in_dim3A_388, %select_n3A_378 : vector<512x128xi1>, vector<512x128xi32>
    %get3A_390 = arith.constant 34 : index
    %get3A_391 = arith.constant 0 : index
    %get3A_392 = vector.load %arg5[%get3A_390, %get3A_391] : memref<64x128xf32, #tpu.memory_space<vmem>>, vector<1x128xf32>
    %slice3A_393 = vector.extract_strided_slice %dot_general3A_367 {offsets = [0, 256], sizes = [512, 128], strides = [1, 1]} : vector<512x2048xf32> to vector<512x128xf32>
    %sub3A_394 = vector.broadcast %get3A_392 : vector<1x128xf32> to vector<512x128xf32>
    %sub3A_395 = arith.subf %sub3A_394, %slice3A_393 : vector<512x128xf32>
    %lt3A_396 = arith.cmpf olt, %sub3A_395, %select_n3A_386 : vector<512x128xf32>
    %select_n3A_397 = arith.select %lt3A_396, %sub3A_395, %select_n3A_386 : vector<512x128xi1>, vector<512x128xf32>
    %jit3A_398 = arith.constant 34 : i32
    %broadcast_in_dim3A_399 = vector.broadcast %jit3A_398 : i32 to vector<512x128xi32>
    %select_n3A_400 = arith.select %lt3A_396, %broadcast_in_dim3A_399, %select_n3A_389 : vector<512x128xi1>, vector<512x128xi32>
    %get3A_401 = arith.constant 35 : index
    %get3A_402 = arith.constant 0 : index
    %get3A_403 = vector.load %arg5[%get3A_401, %get3A_402] : memref<64x128xf32, #tpu.memory_space<vmem>>, vector<1x128xf32>
    %slice3A_404 = vector.extract_strided_slice %dot_general3A_367 {offsets = [0, 384], sizes = [512, 128], strides = [1, 1]} : vector<512x2048xf32> to vector<512x128xf32>
    %sub3A_405 = vector.broadcast %get3A_403 : vector<1x128xf32> to vector<512x128xf32>
    %sub3A_406 = arith.subf %sub3A_405, %slice3A_404 : vector<512x128xf32>
    %lt3A_407 = arith.cmpf olt, %sub3A_406, %select_n3A_397 : vector<512x128xf32>
    %select_n3A_408 = arith.select %lt3A_407, %sub3A_406, %select_n3A_397 : vector<512x128xi1>, vector<512x128xf32>
    %jit3A_409 = arith.constant 35 : i32
    %broadcast_in_dim3A_410 = vector.broadcast %jit3A_409 : i32 to vector<512x128xi32>
    %select_n3A_411 = arith.select %lt3A_407, %broadcast_in_dim3A_410, %select_n3A_400 : vector<512x128xi1>, vector<512x128xi32>
    %get3A_412 = arith.constant 36 : index
    %get3A_413 = arith.constant 0 : index
    %get3A_414 = vector.load %arg5[%get3A_412, %get3A_413] : memref<64x128xf32, #tpu.memory_space<vmem>>, vector<1x128xf32>
    %slice3A_415 = vector.extract_strided_slice %dot_general3A_367 {offsets = [0, 512], sizes = [512, 128], strides = [1, 1]} : vector<512x2048xf32> to vector<512x128xf32>
    %sub3A_416 = vector.broadcast %get3A_414 : vector<1x128xf32> to vector<512x128xf32>
    %sub3A_417 = arith.subf %sub3A_416, %slice3A_415 : vector<512x128xf32>
    %lt3A_418 = arith.cmpf olt, %sub3A_417, %select_n3A_408 : vector<512x128xf32>
    %select_n3A_419 = arith.select %lt3A_418, %sub3A_417, %select_n3A_408 : vector<512x128xi1>, vector<512x128xf32>
    %jit3A_420 = arith.constant 36 : i32
    %broadcast_in_dim3A_421 = vector.broadcast %jit3A_420 : i32 to vector<512x128xi32>
    %select_n3A_422 = arith.select %lt3A_418, %broadcast_in_dim3A_421, %select_n3A_411 : vector<512x128xi1>, vector<512x128xi32>
    %get3A_423 = arith.constant 37 : index
    %get3A_424 = arith.constant 0 : index
    %get3A_425 = vector.load %arg5[%get3A_423, %get3A_424] : memref<64x128xf32, #tpu.memory_space<vmem>>, vector<1x128xf32>
    %slice3A_426 = vector.extract_strided_slice %dot_general3A_367 {offsets = [0, 640], sizes = [512, 128], strides = [1, 1]} : vector<512x2048xf32> to vector<512x128xf32>
    %sub3A_427 = vector.broadcast %get3A_425 : vector<1x128xf32> to vector<512x128xf32>
    %sub3A_428 = arith.subf %sub3A_427, %slice3A_426 : vector<512x128xf32>
    %lt3A_429 = arith.cmpf olt, %sub3A_428, %select_n3A_419 : vector<512x128xf32>
    %select_n3A_430 = arith.select %lt3A_429, %sub3A_428, %select_n3A_419 : vector<512x128xi1>, vector<512x128xf32>
    %jit3A_431 = arith.constant 37 : i32
    %broadcast_in_dim3A_432 = vector.broadcast %jit3A_431 : i32 to vector<512x128xi32>
    %select_n3A_433 = arith.select %lt3A_429, %broadcast_in_dim3A_432, %select_n3A_422 : vector<512x128xi1>, vector<512x128xi32>
    %get3A_434 = arith.constant 38 : index
    %get3A_435 = arith.constant 0 : index
    %get3A_436 = vector.load %arg5[%get3A_434, %get3A_435] : memref<64x128xf32, #tpu.memory_space<vmem>>, vector<1x128xf32>
    %slice3A_437 = vector.extract_strided_slice %dot_general3A_367 {offsets = [0, 768], sizes = [512, 128], strides = [1, 1]} : vector<512x2048xf32> to vector<512x128xf32>
    %sub3A_438 = vector.broadcast %get3A_436 : vector<1x128xf32> to vector<512x128xf32>
    %sub3A_439 = arith.subf %sub3A_438, %slice3A_437 : vector<512x128xf32>
    %lt3A_440 = arith.cmpf olt, %sub3A_439, %select_n3A_430 : vector<512x128xf32>
    %select_n3A_441 = arith.select %lt3A_440, %sub3A_439, %select_n3A_430 : vector<512x128xi1>, vector<512x128xf32>
    %jit3A_442 = arith.constant 38 : i32
    %broadcast_in_dim3A_443 = vector.broadcast %jit3A_442 : i32 to vector<512x128xi32>
    %select_n3A_444 = arith.select %lt3A_440, %broadcast_in_dim3A_443, %select_n3A_433 : vector<512x128xi1>, vector<512x128xi32>
    %get3A_445 = arith.constant 39 : index
    %get3A_446 = arith.constant 0 : index
    %get3A_447 = vector.load %arg5[%get3A_445, %get3A_446] : memref<64x128xf32, #tpu.memory_space<vmem>>, vector<1x128xf32>
    %slice3A_448 = vector.extract_strided_slice %dot_general3A_367 {offsets = [0, 896], sizes = [512, 128], strides = [1, 1]} : vector<512x2048xf32> to vector<512x128xf32>
    %sub3A_449 = vector.broadcast %get3A_447 : vector<1x128xf32> to vector<512x128xf32>
    %sub3A_450 = arith.subf %sub3A_449, %slice3A_448 : vector<512x128xf32>
    %lt3A_451 = arith.cmpf olt, %sub3A_450, %select_n3A_441 : vector<512x128xf32>
    %select_n3A_452 = arith.select %lt3A_451, %sub3A_450, %select_n3A_441 : vector<512x128xi1>, vector<512x128xf32>
    %jit3A_453 = arith.constant 39 : i32
    %broadcast_in_dim3A_454 = vector.broadcast %jit3A_453 : i32 to vector<512x128xi32>
    %select_n3A_455 = arith.select %lt3A_451, %broadcast_in_dim3A_454, %select_n3A_444 : vector<512x128xi1>, vector<512x128xi32>
    %get3A_456 = arith.constant 40 : index
    %get3A_457 = arith.constant 0 : index
    %get3A_458 = vector.load %arg5[%get3A_456, %get3A_457] : memref<64x128xf32, #tpu.memory_space<vmem>>, vector<1x128xf32>
    %slice3A_459 = vector.extract_strided_slice %dot_general3A_367 {offsets = [0, 1024], sizes = [512, 128], strides = [1, 1]} : vector<512x2048xf32> to vector<512x128xf32>
    %sub3A_460 = vector.broadcast %get3A_458 : vector<1x128xf32> to vector<512x128xf32>
    %sub3A_461 = arith.subf %sub3A_460, %slice3A_459 : vector<512x128xf32>
    %lt3A_462 = arith.cmpf olt, %sub3A_461, %select_n3A_452 : vector<512x128xf32>
    %select_n3A_463 = arith.select %lt3A_462, %sub3A_461, %select_n3A_452 : vector<512x128xi1>, vector<512x128xf32>
    %jit3A_464 = arith.constant 40 : i32
    %broadcast_in_dim3A_465 = vector.broadcast %jit3A_464 : i32 to vector<512x128xi32>
    %select_n3A_466 = arith.select %lt3A_462, %broadcast_in_dim3A_465, %select_n3A_455 : vector<512x128xi1>, vector<512x128xi32>
    %get3A_467 = arith.constant 41 : index
    %get3A_468 = arith.constant 0 : index
    %get3A_469 = vector.load %arg5[%get3A_467, %get3A_468] : memref<64x128xf32, #tpu.memory_space<vmem>>, vector<1x128xf32>
    %slice3A_470 = vector.extract_strided_slice %dot_general3A_367 {offsets = [0, 1152], sizes = [512, 128], strides = [1, 1]} : vector<512x2048xf32> to vector<512x128xf32>
    %sub3A_471 = vector.broadcast %get3A_469 : vector<1x128xf32> to vector<512x128xf32>
    %sub3A_472 = arith.subf %sub3A_471, %slice3A_470 : vector<512x128xf32>
    %lt3A_473 = arith.cmpf olt, %sub3A_472, %select_n3A_463 : vector<512x128xf32>
    %select_n3A_474 = arith.select %lt3A_473, %sub3A_472, %select_n3A_463 : vector<512x128xi1>, vector<512x128xf32>
    %jit3A_475 = arith.constant 41 : i32
    %broadcast_in_dim3A_476 = vector.broadcast %jit3A_475 : i32 to vector<512x128xi32>
    %select_n3A_477 = arith.select %lt3A_473, %broadcast_in_dim3A_476, %select_n3A_466 : vector<512x128xi1>, vector<512x128xi32>
    %get3A_478 = arith.constant 42 : index
    %get3A_479 = arith.constant 0 : index
    %get3A_480 = vector.load %arg5[%get3A_478, %get3A_479] : memref<64x128xf32, #tpu.memory_space<vmem>>, vector<1x128xf32>
    %slice3A_481 = vector.extract_strided_slice %dot_general3A_367 {offsets = [0, 1280], sizes = [512, 128], strides = [1, 1]} : vector<512x2048xf32> to vector<512x128xf32>
    %sub3A_482 = vector.broadcast %get3A_480 : vector<1x128xf32> to vector<512x128xf32>
    %sub3A_483 = arith.subf %sub3A_482, %slice3A_481 : vector<512x128xf32>
    %lt3A_484 = arith.cmpf olt, %sub3A_483, %select_n3A_474 : vector<512x128xf32>
    %select_n3A_485 = arith.select %lt3A_484, %sub3A_483, %select_n3A_474 : vector<512x128xi1>, vector<512x128xf32>
    %jit3A_486 = arith.constant 42 : i32
    %broadcast_in_dim3A_487 = vector.broadcast %jit3A_486 : i32 to vector<512x128xi32>
    %select_n3A_488 = arith.select %lt3A_484, %broadcast_in_dim3A_487, %select_n3A_477 : vector<512x128xi1>, vector<512x128xi32>
    %get3A_489 = arith.constant 43 : index
    %get3A_490 = arith.constant 0 : index
    %get3A_491 = vector.load %arg5[%get3A_489, %get3A_490] : memref<64x128xf32, #tpu.memory_space<vmem>>, vector<1x128xf32>
    %slice3A_492 = vector.extract_strided_slice %dot_general3A_367 {offsets = [0, 1408], sizes = [512, 128], strides = [1, 1]} : vector<512x2048xf32> to vector<512x128xf32>
    %sub3A_493 = vector.broadcast %get3A_491 : vector<1x128xf32> to vector<512x128xf32>
    %sub3A_494 = arith.subf %sub3A_493, %slice3A_492 : vector<512x128xf32>
    %lt3A_495 = arith.cmpf olt, %sub3A_494, %select_n3A_485 : vector<512x128xf32>
    %select_n3A_496 = arith.select %lt3A_495, %sub3A_494, %select_n3A_485 : vector<512x128xi1>, vector<512x128xf32>
    %jit3A_497 = arith.constant 43 : i32
    %broadcast_in_dim3A_498 = vector.broadcast %jit3A_497 : i32 to vector<512x128xi32>
    %select_n3A_499 = arith.select %lt3A_495, %broadcast_in_dim3A_498, %select_n3A_488 : vector<512x128xi1>, vector<512x128xi32>
    %get3A_500 = arith.constant 44 : index
    %get3A_501 = arith.constant 0 : index
    %get3A_502 = vector.load %arg5[%get3A_500, %get3A_501] : memref<64x128xf32, #tpu.memory_space<vmem>>, vector<1x128xf32>
    %slice3A_503 = vector.extract_strided_slice %dot_general3A_367 {offsets = [0, 1536], sizes = [512, 128], strides = [1, 1]} : vector<512x2048xf32> to vector<512x128xf32>
    %sub3A_504 = vector.broadcast %get3A_502 : vector<1x128xf32> to vector<512x128xf32>
    %sub3A_505 = arith.subf %sub3A_504, %slice3A_503 : vector<512x128xf32>
    %lt3A_506 = arith.cmpf olt, %sub3A_505, %select_n3A_496 : vector<512x128xf32>
    %select_n3A_507 = arith.select %lt3A_506, %sub3A_505, %select_n3A_496 : vector<512x128xi1>, vector<512x128xf32>
    %jit3A_508 = arith.constant 44 : i32
    %broadcast_in_dim3A_509 = vector.broadcast %jit3A_508 : i32 to vector<512x128xi32>
    %select_n3A_510 = arith.select %lt3A_506, %broadcast_in_dim3A_509, %select_n3A_499 : vector<512x128xi1>, vector<512x128xi32>
    %get3A_511 = arith.constant 45 : index
    %get3A_512 = arith.constant 0 : index
    %get3A_513 = vector.load %arg5[%get3A_511, %get3A_512] : memref<64x128xf32, #tpu.memory_space<vmem>>, vector<1x128xf32>
    %slice3A_514 = vector.extract_strided_slice %dot_general3A_367 {offsets = [0, 1664], sizes = [512, 128], strides = [1, 1]} : vector<512x2048xf32> to vector<512x128xf32>
    %sub3A_515 = vector.broadcast %get3A_513 : vector<1x128xf32> to vector<512x128xf32>
    %sub3A_516 = arith.subf %sub3A_515, %slice3A_514 : vector<512x128xf32>
    %lt3A_517 = arith.cmpf olt, %sub3A_516, %select_n3A_507 : vector<512x128xf32>
    %select_n3A_518 = arith.select %lt3A_517, %sub3A_516, %select_n3A_507 : vector<512x128xi1>, vector<512x128xf32>
    %jit3A_519 = arith.constant 45 : i32
    %broadcast_in_dim3A_520 = vector.broadcast %jit3A_519 : i32 to vector<512x128xi32>
    %select_n3A_521 = arith.select %lt3A_517, %broadcast_in_dim3A_520, %select_n3A_510 : vector<512x128xi1>, vector<512x128xi32>
    %get3A_522 = arith.constant 46 : index
    %get3A_523 = arith.constant 0 : index
    %get3A_524 = vector.load %arg5[%get3A_522, %get3A_523] : memref<64x128xf32, #tpu.memory_space<vmem>>, vector<1x128xf32>
    %slice3A_525 = vector.extract_strided_slice %dot_general3A_367 {offsets = [0, 1792], sizes = [512, 128], strides = [1, 1]} : vector<512x2048xf32> to vector<512x128xf32>
    %sub3A_526 = vector.broadcast %get3A_524 : vector<1x128xf32> to vector<512x128xf32>
    %sub3A_527 = arith.subf %sub3A_526, %slice3A_525 : vector<512x128xf32>
    %lt3A_528 = arith.cmpf olt, %sub3A_527, %select_n3A_518 : vector<512x128xf32>
    %select_n3A_529 = arith.select %lt3A_528, %sub3A_527, %select_n3A_518 : vector<512x128xi1>, vector<512x128xf32>
    %jit3A_530 = arith.constant 46 : i32
    %broadcast_in_dim3A_531 = vector.broadcast %jit3A_530 : i32 to vector<512x128xi32>
    %select_n3A_532 = arith.select %lt3A_528, %broadcast_in_dim3A_531, %select_n3A_521 : vector<512x128xi1>, vector<512x128xi32>
    %get3A_533 = arith.constant 47 : index
    %get3A_534 = arith.constant 0 : index
    %get3A_535 = vector.load %arg5[%get3A_533, %get3A_534] : memref<64x128xf32, #tpu.memory_space<vmem>>, vector<1x128xf32>
    %slice3A_536 = vector.extract_strided_slice %dot_general3A_367 {offsets = [0, 1920], sizes = [512, 128], strides = [1, 1]} : vector<512x2048xf32> to vector<512x128xf32>
    %sub3A_537 = vector.broadcast %get3A_535 : vector<1x128xf32> to vector<512x128xf32>
    %sub3A_538 = arith.subf %sub3A_537, %slice3A_536 : vector<512x128xf32>
    %lt3A_539 = arith.cmpf olt, %sub3A_538, %select_n3A_529 : vector<512x128xf32>
    %select_n3A_540 = arith.select %lt3A_539, %sub3A_538, %select_n3A_529 : vector<512x128xi1>, vector<512x128xf32>
    %jit3A_541 = arith.constant 47 : i32
    %broadcast_in_dim3A_542 = vector.broadcast %jit3A_541 : i32 to vector<512x128xi32>
    %select_n3A_543 = arith.select %lt3A_539, %broadcast_in_dim3A_542, %select_n3A_532 : vector<512x128xi1>, vector<512x128xi32>
    %get3A_544 = arith.constant 6144 : index
    %get3A_545 = arith.constant 0 : index
    %get3A_546 = vector.load %arg2[%get3A_544, %get3A_545] : memref<8192x256xf32, #tpu.memory_space<vmem>>, vector<2048x256xf32>
    %dot_general3A_547 = arith.constant dense<0.000000e+00> : vector<512x2048xf32>
    %dot_general3A_548 = tpu.matmul %get3A_3, %get3A_546, %dot_general3A_547 {dimension_numbers = #tpu.dot_dimension_numbers<[1], [1], [0], [0], [0, 0, 1, 0], [], []>, transpose_lhs_hint = false} : vector<512x256xf32>, vector<2048x256xf32>, vector<512x2048xf32> -> vector<512x2048xf32>
    %get3A_549 = arith.constant 48 : index
    %get3A_550 = arith.constant 0 : index
    %get3A_551 = vector.load %arg5[%get3A_549, %get3A_550] : memref<64x128xf32, #tpu.memory_space<vmem>>, vector<1x128xf32>
    %slice3A_552 = vector.extract_strided_slice %dot_general3A_548 {offsets = [0, 0], sizes = [512, 128], strides = [1, 1]} : vector<512x2048xf32> to vector<512x128xf32>
    %sub3A_553 = vector.broadcast %get3A_551 : vector<1x128xf32> to vector<512x128xf32>
    %sub3A_554 = arith.subf %sub3A_553, %slice3A_552 : vector<512x128xf32>
    %lt3A_555 = arith.cmpf olt, %sub3A_554, %select_n3A_540 : vector<512x128xf32>
    %select_n3A_556 = arith.select %lt3A_555, %sub3A_554, %select_n3A_540 : vector<512x128xi1>, vector<512x128xf32>
    %jit3A_557 = arith.constant 48 : i32
    %broadcast_in_dim3A_558 = vector.broadcast %jit3A_557 : i32 to vector<512x128xi32>
    %select_n3A_559 = arith.select %lt3A_555, %broadcast_in_dim3A_558, %select_n3A_543 : vector<512x128xi1>, vector<512x128xi32>
    %get3A_560 = arith.constant 49 : index
    %get3A_561 = arith.constant 0 : index
    %get3A_562 = vector.load %arg5[%get3A_560, %get3A_561] : memref<64x128xf32, #tpu.memory_space<vmem>>, vector<1x128xf32>
    %slice3A_563 = vector.extract_strided_slice %dot_general3A_548 {offsets = [0, 128], sizes = [512, 128], strides = [1, 1]} : vector<512x2048xf32> to vector<512x128xf32>
    %sub3A_564 = vector.broadcast %get3A_562 : vector<1x128xf32> to vector<512x128xf32>
    %sub3A_565 = arith.subf %sub3A_564, %slice3A_563 : vector<512x128xf32>
    %lt3A_566 = arith.cmpf olt, %sub3A_565, %select_n3A_556 : vector<512x128xf32>
    %select_n3A_567 = arith.select %lt3A_566, %sub3A_565, %select_n3A_556 : vector<512x128xi1>, vector<512x128xf32>
    %jit3A_568 = arith.constant 49 : i32
    %broadcast_in_dim3A_569 = vector.broadcast %jit3A_568 : i32 to vector<512x128xi32>
    %select_n3A_570 = arith.select %lt3A_566, %broadcast_in_dim3A_569, %select_n3A_559 : vector<512x128xi1>, vector<512x128xi32>
    %get3A_571 = arith.constant 50 : index
    %get3A_572 = arith.constant 0 : index
    %get3A_573 = vector.load %arg5[%get3A_571, %get3A_572] : memref<64x128xf32, #tpu.memory_space<vmem>>, vector<1x128xf32>
    %slice3A_574 = vector.extract_strided_slice %dot_general3A_548 {offsets = [0, 256], sizes = [512, 128], strides = [1, 1]} : vector<512x2048xf32> to vector<512x128xf32>
    %sub3A_575 = vector.broadcast %get3A_573 : vector<1x128xf32> to vector<512x128xf32>
    %sub3A_576 = arith.subf %sub3A_575, %slice3A_574 : vector<512x128xf32>
    %lt3A_577 = arith.cmpf olt, %sub3A_576, %select_n3A_567 : vector<512x128xf32>
    %select_n3A_578 = arith.select %lt3A_577, %sub3A_576, %select_n3A_567 : vector<512x128xi1>, vector<512x128xf32>
    %jit3A_579 = arith.constant 50 : i32
    %broadcast_in_dim3A_580 = vector.broadcast %jit3A_579 : i32 to vector<512x128xi32>
    %select_n3A_581 = arith.select %lt3A_577, %broadcast_in_dim3A_580, %select_n3A_570 : vector<512x128xi1>, vector<512x128xi32>
    %get3A_582 = arith.constant 51 : index
    %get3A_583 = arith.constant 0 : index
    %get3A_584 = vector.load %arg5[%get3A_582, %get3A_583] : memref<64x128xf32, #tpu.memory_space<vmem>>, vector<1x128xf32>
    %slice3A_585 = vector.extract_strided_slice %dot_general3A_548 {offsets = [0, 384], sizes = [512, 128], strides = [1, 1]} : vector<512x2048xf32> to vector<512x128xf32>
    %sub3A_586 = vector.broadcast %get3A_584 : vector<1x128xf32> to vector<512x128xf32>
    %sub3A_587 = arith.subf %sub3A_586, %slice3A_585 : vector<512x128xf32>
    %lt3A_588 = arith.cmpf olt, %sub3A_587, %select_n3A_578 : vector<512x128xf32>
    %select_n3A_589 = arith.select %lt3A_588, %sub3A_587, %select_n3A_578 : vector<512x128xi1>, vector<512x128xf32>
    %jit3A_590 = arith.constant 51 : i32
    %broadcast_in_dim3A_591 = vector.broadcast %jit3A_590 : i32 to vector<512x128xi32>
    %select_n3A_592 = arith.select %lt3A_588, %broadcast_in_dim3A_591, %select_n3A_581 : vector<512x128xi1>, vector<512x128xi32>
    %get3A_593 = arith.constant 52 : index
    %get3A_594 = arith.constant 0 : index
    %get3A_595 = vector.load %arg5[%get3A_593, %get3A_594] : memref<64x128xf32, #tpu.memory_space<vmem>>, vector<1x128xf32>
    %slice3A_596 = vector.extract_strided_slice %dot_general3A_548 {offsets = [0, 512], sizes = [512, 128], strides = [1, 1]} : vector<512x2048xf32> to vector<512x128xf32>
    %sub3A_597 = vector.broadcast %get3A_595 : vector<1x128xf32> to vector<512x128xf32>
    %sub3A_598 = arith.subf %sub3A_597, %slice3A_596 : vector<512x128xf32>
    %lt3A_599 = arith.cmpf olt, %sub3A_598, %select_n3A_589 : vector<512x128xf32>
    %select_n3A_600 = arith.select %lt3A_599, %sub3A_598, %select_n3A_589 : vector<512x128xi1>, vector<512x128xf32>
    %jit3A_601 = arith.constant 52 : i32
    %broadcast_in_dim3A_602 = vector.broadcast %jit3A_601 : i32 to vector<512x128xi32>
    %select_n3A_603 = arith.select %lt3A_599, %broadcast_in_dim3A_602, %select_n3A_592 : vector<512x128xi1>, vector<512x128xi32>
    %get3A_604 = arith.constant 53 : index
    %get3A_605 = arith.constant 0 : index
    %get3A_606 = vector.load %arg5[%get3A_604, %get3A_605] : memref<64x128xf32, #tpu.memory_space<vmem>>, vector<1x128xf32>
    %slice3A_607 = vector.extract_strided_slice %dot_general3A_548 {offsets = [0, 640], sizes = [512, 128], strides = [1, 1]} : vector<512x2048xf32> to vector<512x128xf32>
    %sub3A_608 = vector.broadcast %get3A_606 : vector<1x128xf32> to vector<512x128xf32>
    %sub3A_609 = arith.subf %sub3A_608, %slice3A_607 : vector<512x128xf32>
    %lt3A_610 = arith.cmpf olt, %sub3A_609, %select_n3A_600 : vector<512x128xf32>
    %select_n3A_611 = arith.select %lt3A_610, %sub3A_609, %select_n3A_600 : vector<512x128xi1>, vector<512x128xf32>
    %jit3A_612 = arith.constant 53 : i32
    %broadcast_in_dim3A_613 = vector.broadcast %jit3A_612 : i32 to vector<512x128xi32>
    %select_n3A_614 = arith.select %lt3A_610, %broadcast_in_dim3A_613, %select_n3A_603 : vector<512x128xi1>, vector<512x128xi32>
    %get3A_615 = arith.constant 54 : index
    %get3A_616 = arith.constant 0 : index
    %get3A_617 = vector.load %arg5[%get3A_615, %get3A_616] : memref<64x128xf32, #tpu.memory_space<vmem>>, vector<1x128xf32>
    %slice3A_618 = vector.extract_strided_slice %dot_general3A_548 {offsets = [0, 768], sizes = [512, 128], strides = [1, 1]} : vector<512x2048xf32> to vector<512x128xf32>
    %sub3A_619 = vector.broadcast %get3A_617 : vector<1x128xf32> to vector<512x128xf32>
    %sub3A_620 = arith.subf %sub3A_619, %slice3A_618 : vector<512x128xf32>
    %lt3A_621 = arith.cmpf olt, %sub3A_620, %select_n3A_611 : vector<512x128xf32>
    %select_n3A_622 = arith.select %lt3A_621, %sub3A_620, %select_n3A_611 : vector<512x128xi1>, vector<512x128xf32>
    %jit3A_623 = arith.constant 54 : i32
    %broadcast_in_dim3A_624 = vector.broadcast %jit3A_623 : i32 to vector<512x128xi32>
    %select_n3A_625 = arith.select %lt3A_621, %broadcast_in_dim3A_624, %select_n3A_614 : vector<512x128xi1>, vector<512x128xi32>
    %get3A_626 = arith.constant 55 : index
    %get3A_627 = arith.constant 0 : index
    %get3A_628 = vector.load %arg5[%get3A_626, %get3A_627] : memref<64x128xf32, #tpu.memory_space<vmem>>, vector<1x128xf32>
    %slice3A_629 = vector.extract_strided_slice %dot_general3A_548 {offsets = [0, 896], sizes = [512, 128], strides = [1, 1]} : vector<512x2048xf32> to vector<512x128xf32>
    %sub3A_630 = vector.broadcast %get3A_628 : vector<1x128xf32> to vector<512x128xf32>
    %sub3A_631 = arith.subf %sub3A_630, %slice3A_629 : vector<512x128xf32>
    %lt3A_632 = arith.cmpf olt, %sub3A_631, %select_n3A_622 : vector<512x128xf32>
    %select_n3A_633 = arith.select %lt3A_632, %sub3A_631, %select_n3A_622 : vector<512x128xi1>, vector<512x128xf32>
    %jit3A_634 = arith.constant 55 : i32
    %broadcast_in_dim3A_635 = vector.broadcast %jit3A_634 : i32 to vector<512x128xi32>
    %select_n3A_636 = arith.select %lt3A_632, %broadcast_in_dim3A_635, %select_n3A_625 : vector<512x128xi1>, vector<512x128xi32>
    %get3A_637 = arith.constant 56 : index
    %get3A_638 = arith.constant 0 : index
    %get3A_639 = vector.load %arg5[%get3A_637, %get3A_638] : memref<64x128xf32, #tpu.memory_space<vmem>>, vector<1x128xf32>
    %slice3A_640 = vector.extract_strided_slice %dot_general3A_548 {offsets = [0, 1024], sizes = [512, 128], strides = [1, 1]} : vector<512x2048xf32> to vector<512x128xf32>
    %sub3A_641 = vector.broadcast %get3A_639 : vector<1x128xf32> to vector<512x128xf32>
    %sub3A_642 = arith.subf %sub3A_641, %slice3A_640 : vector<512x128xf32>
    %lt3A_643 = arith.cmpf olt, %sub3A_642, %select_n3A_633 : vector<512x128xf32>
    %select_n3A_644 = arith.select %lt3A_643, %sub3A_642, %select_n3A_633 : vector<512x128xi1>, vector<512x128xf32>
    %jit3A_645 = arith.constant 56 : i32
    %broadcast_in_dim3A_646 = vector.broadcast %jit3A_645 : i32 to vector<512x128xi32>
    %select_n3A_647 = arith.select %lt3A_643, %broadcast_in_dim3A_646, %select_n3A_636 : vector<512x128xi1>, vector<512x128xi32>
    %get3A_648 = arith.constant 57 : index
    %get3A_649 = arith.constant 0 : index
    %get3A_650 = vector.load %arg5[%get3A_648, %get3A_649] : memref<64x128xf32, #tpu.memory_space<vmem>>, vector<1x128xf32>
    %slice3A_651 = vector.extract_strided_slice %dot_general3A_548 {offsets = [0, 1152], sizes = [512, 128], strides = [1, 1]} : vector<512x2048xf32> to vector<512x128xf32>
    %sub3A_652 = vector.broadcast %get3A_650 : vector<1x128xf32> to vector<512x128xf32>
    %sub3A_653 = arith.subf %sub3A_652, %slice3A_651 : vector<512x128xf32>
    %lt3A_654 = arith.cmpf olt, %sub3A_653, %select_n3A_644 : vector<512x128xf32>
    %select_n3A_655 = arith.select %lt3A_654, %sub3A_653, %select_n3A_644 : vector<512x128xi1>, vector<512x128xf32>
    %jit3A_656 = arith.constant 57 : i32
    %broadcast_in_dim3A_657 = vector.broadcast %jit3A_656 : i32 to vector<512x128xi32>
    %select_n3A_658 = arith.select %lt3A_654, %broadcast_in_dim3A_657, %select_n3A_647 : vector<512x128xi1>, vector<512x128xi32>
    %get3A_659 = arith.constant 58 : index
    %get3A_660 = arith.constant 0 : index
    %get3A_661 = vector.load %arg5[%get3A_659, %get3A_660] : memref<64x128xf32, #tpu.memory_space<vmem>>, vector<1x128xf32>
    %slice3A_662 = vector.extract_strided_slice %dot_general3A_548 {offsets = [0, 1280], sizes = [512, 128], strides = [1, 1]} : vector<512x2048xf32> to vector<512x128xf32>
    %sub3A_663 = vector.broadcast %get3A_661 : vector<1x128xf32> to vector<512x128xf32>
    %sub3A_664 = arith.subf %sub3A_663, %slice3A_662 : vector<512x128xf32>
    %lt3A_665 = arith.cmpf olt, %sub3A_664, %select_n3A_655 : vector<512x128xf32>
    %select_n3A_666 = arith.select %lt3A_665, %sub3A_664, %select_n3A_655 : vector<512x128xi1>, vector<512x128xf32>
    %jit3A_667 = arith.constant 58 : i32
    %broadcast_in_dim3A_668 = vector.broadcast %jit3A_667 : i32 to vector<512x128xi32>
    %select_n3A_669 = arith.select %lt3A_665, %broadcast_in_dim3A_668, %select_n3A_658 : vector<512x128xi1>, vector<512x128xi32>
    %get3A_670 = arith.constant 59 : index
    %get3A_671 = arith.constant 0 : index
    %get3A_672 = vector.load %arg5[%get3A_670, %get3A_671] : memref<64x128xf32, #tpu.memory_space<vmem>>, vector<1x128xf32>
    %slice3A_673 = vector.extract_strided_slice %dot_general3A_548 {offsets = [0, 1408], sizes = [512, 128], strides = [1, 1]} : vector<512x2048xf32> to vector<512x128xf32>
    %sub3A_674 = vector.broadcast %get3A_672 : vector<1x128xf32> to vector<512x128xf32>
    %sub3A_675 = arith.subf %sub3A_674, %slice3A_673 : vector<512x128xf32>
    %lt3A_676 = arith.cmpf olt, %sub3A_675, %select_n3A_666 : vector<512x128xf32>
    %select_n3A_677 = arith.select %lt3A_676, %sub3A_675, %select_n3A_666 : vector<512x128xi1>, vector<512x128xf32>
    %jit3A_678 = arith.constant 59 : i32
    %broadcast_in_dim3A_679 = vector.broadcast %jit3A_678 : i32 to vector<512x128xi32>
    %select_n3A_680 = arith.select %lt3A_676, %broadcast_in_dim3A_679, %select_n3A_669 : vector<512x128xi1>, vector<512x128xi32>
    %get3A_681 = arith.constant 60 : index
    %get3A_682 = arith.constant 0 : index
    %get3A_683 = vector.load %arg5[%get3A_681, %get3A_682] : memref<64x128xf32, #tpu.memory_space<vmem>>, vector<1x128xf32>
    %slice3A_684 = vector.extract_strided_slice %dot_general3A_548 {offsets = [0, 1536], sizes = [512, 128], strides = [1, 1]} : vector<512x2048xf32> to vector<512x128xf32>
    %sub3A_685 = vector.broadcast %get3A_683 : vector<1x128xf32> to vector<512x128xf32>
    %sub3A_686 = arith.subf %sub3A_685, %slice3A_684 : vector<512x128xf32>
    %lt3A_687 = arith.cmpf olt, %sub3A_686, %select_n3A_677 : vector<512x128xf32>
    %select_n3A_688 = arith.select %lt3A_687, %sub3A_686, %select_n3A_677 : vector<512x128xi1>, vector<512x128xf32>
    %jit3A_689 = arith.constant 60 : i32
    %broadcast_in_dim3A_690 = vector.broadcast %jit3A_689 : i32 to vector<512x128xi32>
    %select_n3A_691 = arith.select %lt3A_687, %broadcast_in_dim3A_690, %select_n3A_680 : vector<512x128xi1>, vector<512x128xi32>
    %get3A_692 = arith.constant 61 : index
    %get3A_693 = arith.constant 0 : index
    %get3A_694 = vector.load %arg5[%get3A_692, %get3A_693] : memref<64x128xf32, #tpu.memory_space<vmem>>, vector<1x128xf32>
    %slice3A_695 = vector.extract_strided_slice %dot_general3A_548 {offsets = [0, 1664], sizes = [512, 128], strides = [1, 1]} : vector<512x2048xf32> to vector<512x128xf32>
    %sub3A_696 = vector.broadcast %get3A_694 : vector<1x128xf32> to vector<512x128xf32>
    %sub3A_697 = arith.subf %sub3A_696, %slice3A_695 : vector<512x128xf32>
    %lt3A_698 = arith.cmpf olt, %sub3A_697, %select_n3A_688 : vector<512x128xf32>
    %select_n3A_699 = arith.select %lt3A_698, %sub3A_697, %select_n3A_688 : vector<512x128xi1>, vector<512x128xf32>
    %jit3A_700 = arith.constant 61 : i32
    %broadcast_in_dim3A_701 = vector.broadcast %jit3A_700 : i32 to vector<512x128xi32>
    %select_n3A_702 = arith.select %lt3A_698, %broadcast_in_dim3A_701, %select_n3A_691 : vector<512x128xi1>, vector<512x128xi32>
    %get3A_703 = arith.constant 62 : index
    %get3A_704 = arith.constant 0 : index
    %get3A_705 = vector.load %arg5[%get3A_703, %get3A_704] : memref<64x128xf32, #tpu.memory_space<vmem>>, vector<1x128xf32>
    %slice3A_706 = vector.extract_strided_slice %dot_general3A_548 {offsets = [0, 1792], sizes = [512, 128], strides = [1, 1]} : vector<512x2048xf32> to vector<512x128xf32>
    %sub3A_707 = vector.broadcast %get3A_705 : vector<1x128xf32> to vector<512x128xf32>
    %sub3A_708 = arith.subf %sub3A_707, %slice3A_706 : vector<512x128xf32>
    %lt3A_709 = arith.cmpf olt, %sub3A_708, %select_n3A_699 : vector<512x128xf32>
    %select_n3A_710 = arith.select %lt3A_709, %sub3A_708, %select_n3A_699 : vector<512x128xi1>, vector<512x128xf32>
    %jit3A_711 = arith.constant 62 : i32
    %broadcast_in_dim3A_712 = vector.broadcast %jit3A_711 : i32 to vector<512x128xi32>
    %select_n3A_713 = arith.select %lt3A_709, %broadcast_in_dim3A_712, %select_n3A_702 : vector<512x128xi1>, vector<512x128xi32>
    %get3A_714 = arith.constant 63 : index
    %get3A_715 = arith.constant 0 : index
    %get3A_716 = vector.load %arg5[%get3A_714, %get3A_715] : memref<64x128xf32, #tpu.memory_space<vmem>>, vector<1x128xf32>
    %slice3A_717 = vector.extract_strided_slice %dot_general3A_548 {offsets = [0, 1920], sizes = [512, 128], strides = [1, 1]} : vector<512x2048xf32> to vector<512x128xf32>
    %sub3A_718 = vector.broadcast %get3A_716 : vector<1x128xf32> to vector<512x128xf32>
    %sub3A_719 = arith.subf %sub3A_718, %slice3A_717 : vector<512x128xf32>
    %lt3A_720 = arith.cmpf olt, %sub3A_719, %select_n3A_710 : vector<512x128xf32>
    %select_n3A_721 = arith.select %lt3A_720, %sub3A_719, %select_n3A_710 : vector<512x128xi1>, vector<512x128xf32>
    %jit3A_722 = arith.constant 63 : i32
    %broadcast_in_dim3A_723 = vector.broadcast %jit3A_722 : i32 to vector<512x128xi32>
    %select_n3A_724 = arith.select %lt3A_720, %broadcast_in_dim3A_723, %select_n3A_713 : vector<512x128xi1>, vector<512x128xi32>
    %reduce_min3A = arith.constant dense<0x7F800000> : vector<512xf32>
    %reduce_min3A_725 = vector.multi_reduction <minimumf>, %select_n3A_721, %reduce_min3A [1] : vector<512x128xf32> to vector<512xf32>
    %broadcast_in_dim3A_726 = vector.shape_cast %reduce_min3A_725 : vector<512xf32> to vector<512x1xf32>
    %iota3A = tpu.iota {dimensions = array<i32: 1>} : vector<512x128xi32>
    %eq3A_727 = vector.broadcast %broadcast_in_dim3A_726 : vector<512x1xf32> to vector<512x128xf32>
    %eq3A_728 = arith.cmpf oeq, %select_n3A_721, %eq3A_727 : vector<512x128xf32>
    %mul3A = arith.constant 128 : i32
    %mul3A_729 = vector.broadcast %mul3A : i32 to vector<512x128xi32>
    %mul3A_730 = arith.muli %select_n3A_724, %mul3A_729 : vector<512x128xi32>
    %add3A = arith.addi %mul3A_730, %iota3A : vector<512x128xi32>
    %jit3A_731 = arith.constant 8192 : i32
    %broadcast_in_dim3A_732 = vector.broadcast %jit3A_731 : i32 to vector<512x128xi32>
    %select_n3A_733 = arith.select %eq3A_728, %add3A, %broadcast_in_dim3A_732 : vector<512x128xi1>, vector<512x128xi32>
    %reduce_min3A_734 = arith.constant dense<2147483647> : vector<512xi32>
    %reduce_min3A_735 = vector.multi_reduction <minsi>, %select_n3A_733, %reduce_min3A_734 [1] : vector<512x128xi32> to vector<512xi32>
    %broadcast_in_dim3A_736 = vector.shape_cast %reduce_min3A_735 : vector<512xi32> to vector<512x1xi32>
    %swap3A = arith.constant 0 : index
    %swap3A_737 = arith.constant 0 : index
    %swap3A_738 = vector.load %arg3[%swap3A, %swap3A_737] : memref<512x1xi32, #tpu.memory_space<vmem>>, vector<512x1xi32>
    tpu.vector_store %arg3[%swap3A, %swap3A_737], %broadcast_in_dim3A_736 {strides = array<i32>} : memref<512x1xi32, #tpu.memory_space<vmem>>, vector<512x1xi32>,
    %mul3A_739 = arith.mulf %get3A_3, %get3A_3 : vector<512x256xf32>
    %reduce_sum3A = arith.constant dense<0.000000e+00> : vector<512xf32>
    %reduce_sum3A_740 = vector.multi_reduction <add>, %mul3A_739, %reduce_sum3A [1] : vector<512x256xf32> to vector<512xf32>
    %broadcast_in_dim3A_741 = vector.shape_cast %reduce_sum3A_740 : vector<512xf32> to vector<512x1xf32>
    %reduce_sum3A_742 = vector.shape_cast %broadcast_in_dim3A_726 : vector<512x1xf32> to vector<1x512x1xf32>
    %reduce_sum3A_743 = arith.constant dense<0.000000e+00> : vector<1xf32>
    %reduce_sum3A_744 = vector.multi_reduction <add>, %reduce_sum3A_742, %reduce_sum3A_743 [1, 2] : vector<1x512x1xf32> to vector<1xf32>
    %reduce_sum3A_745 = vector.shape_cast %reduce_sum3A_744 : vector<1xf32> to vector<1x1x1xf32>
    %reduce_sum3A_746 = vector.extract %reduce_sum3A_745[0, 0, 0] : f32 from vector<1x1x1xf32>
    %mul3A_747 = arith.constant 2.000000e+00 : f32
    %mul3A_748 = arith.mulf %mul3A_747, %reduce_sum3A_746 : f32
    %reduce_sum3A_749 = vector.shape_cast %broadcast_in_dim3A_741 : vector<512x1xf32> to vector<1x512x1xf32>
    %reduce_sum3A_750 = arith.constant dense<0.000000e+00> : vector<1xf32>
    %reduce_sum3A_751 = vector.multi_reduction <add>, %reduce_sum3A_749, %reduce_sum3A_750 [1, 2] : vector<1x512x1xf32> to vector<1xf32>
    %reduce_sum3A_752 = vector.shape_cast %reduce_sum3A_751 : vector<1xf32> to vector<1x1x1xf32>
    %reduce_sum3A_753 = vector.extract %reduce_sum3A_752[0, 0, 0] : f32 from vector<1x1x1xf32>
    %add3A_754 = arith.addf %mul3A_748, %reduce_sum3A_753 : f32
    %eq3A_755 = arith.constant 0 : i32
    %eq3A_756 = arith.cmpi eq, %arg0, %eq3A_755 : i32
    %convert_element_type3A_757 = arith.extui %eq3A_756 : i1 to i32
    %cond3A_758 = arith.constant 0 : i32
    %cond3A_759 = arith.cmpi ne, %convert_element_type3A_757, %cond3A_758 : i32
    scf.if %cond3A_759 {
      %swap3A_769 = arith.constant 0 : index
      %swap3A_770 = arith.constant 0 : index
      %swap3A_771 = memref.load %arg4[%swap3A_769, %swap3A_770] : memref<1x1xf32, #tpu.memory_space<smem>>
      memref.store %add3A_754, %arg4[%swap3A_769, %swap3A_770] : memref<1x1xf32, #tpu.memory_space<smem>>
    } else {
    }
    %gt3A = arith.constant 0 : i32
    %gt3A_760 = arith.cmpi sgt, %arg0, %gt3A : i32
    %convert_element_type3A_761 = arith.extui %gt3A_760 : i1 to i32
    %cond3A_762 = arith.constant 0 : i32
    %cond3A_763 = arith.cmpi ne, %convert_element_type3A_761, %cond3A_762 : i32
    scf.if %cond3A_763 {
      %get3A_769 = arith.constant 0 : index
      %get3A_770 = arith.constant 0 : index
      %get3A_771 = memref.load %arg4[%get3A_769, %get3A_770] : memref<1x1xf32, #tpu.memory_space<smem>>
      %add3A_772 = arith.addf %get3A_771, %add3A_754 : f32
      %swap3A_773 = arith.constant 0 : index
      %swap3A_774 = arith.constant 0 : index
      %swap3A_775 = memref.load %arg4[%swap3A_773, %swap3A_774] : memref<1x1xf32, #tpu.memory_space<smem>>
      memref.store %add3A_772, %arg4[%swap3A_773, %swap3A_774] : memref<1x1xf32, #tpu.memory_space<smem>>
    } else {
    }
    %eq3A_764 = arith.constant 31 : i32
    %eq3A_765 = arith.cmpi eq, %arg0, %eq3A_764 : i32
    %convert_element_type3A_766 = arith.extui %eq3A_765 : i1 to i32
    %cond3A_767 = arith.constant 0 : i32
    %cond3A_768 = arith.cmpi ne, %convert_element_type3A_766, %cond3A_767 : i32
    scf.if %cond3A_768 {
      %get3A_769 = arith.constant 0 : index
      %get3A_770 = arith.constant 0 : index
      %get3A_771 = memref.load %arg4[%get3A_769, %get3A_770] : memref<1x1xf32, #tpu.memory_space<smem>>
      %mul3A_772 = arith.constant 2.98023224E-7 : f32
      %mul3A_773 = arith.mulf %get3A_771, %mul3A_772 : f32
      %swap3A_774 = arith.constant 0 : index
      %swap3A_775 = arith.constant 0 : index
      %swap3A_776 = memref.load %arg4[%swap3A_774, %swap3A_775] : memref<1x1xf32, #tpu.memory_space<smem>>
      memref.store %mul3A_773, %arg4[%swap3A_774, %swap3A_775] : memref<1x1xf32, #tpu.memory_space<smem>>
    } else {
    }
    return
  }
  func.func @transform_0(%arg0: i32) -> (i32, i32) {
    %c0_i32 = arith.constant 0 : i32
    %c0_i32_0 = arith.constant 0 : i32
    return %arg0, %c0_i32 : i32, i32
  }
  func.func @transform_1(%arg0: i32) -> (i32, i32) {
    %c0_i32 = arith.constant 0 : i32
    %c0_i32_0 = arith.constant 0 : i32
    %c0_i32_1 = arith.constant 0 : i32
    return %c0_i32, %c0_i32_0 : i32, i32
  }
  func.func @transform_2(%arg0: i32) -> (i32, i32) {
    %c0_i32 = arith.constant 0 : i32
    %c0_i32_0 = arith.constant 0 : i32
    return %arg0, %c0_i32 : i32, i32
  }
  func.func @transform_3(%arg0: i32) -> (i32, i32) {
    %c0_i32 = arith.constant 0 : i32
    %c0_i32_0 = arith.constant 0 : i32
    %c0_i32_1 = arith.constant 0 : i32
    return %c0_i32, %c0_i32_0 : i32, i32
  }
}

</mosaic_0001>

<sc_bundles>
// kernel: kernel.4.cloned.1.call-start
scs
__scs_entry_jumppad:
0x0: {  	(pc) =	sbr.rel $0x88, $3  }
0x1: {  	(tag) =	ssettag $0x0;
	lr =	simm.s32 $0x1  }
0x2: {  	[smem:$0x3F9F] =	sst lr;
	_ =	strace $0xD0000000  }
0x3: {  	_ = 	snop  }
0x4: {  	_ = 	snop  }
0x5: {  	_ = 	snop  }
0x6: {  	_ = 	snop  }
0x7: {  	_ = 	snop  }
__scs_overlays_trampoline_lowered:
0x8: {  	[smem:$0x3FAE] =	sst s0  }
0x9: {  	[smem:$0x3FAF] =	sst s1  }
0xa: {  	[smem:$0x3FB0] =	sst s2  }
0xb: {  	[smem:$0x3FB1] =	sst s3  }
0xc: {  	[smem:$0x3FB2] =	sst s4  }
0xd: {  	[smem:$0x3FB3] =	sst s5  }
0xe: {  	[smem:$0x3FB4] =	sst s6  }
0xf: {  	[smem:$0x3FB5] =	sst s7  }
0x10: {  	[smem:$0x3FB6] =	sst s8  }
0x11: {  	[smem:$0x3FB7] =	sst s9;
	s0 =	simm.s32 @!p0 $0x0  }
0x12: {  	s1 =	sld [smem:$0x3F9D];
	s0 =	simm.s32 @p0 $0x1  }
0x13: {  	[smem:$0x3FB8] =	sst s0;
	s0 =	simm.s32 @!p1 $0x0  }
0x14: {  	s2 =	sld [smem:$0x3F9C];
	s0 =	simm.s32 @p1 $0x1  }
0x15: {  	[smem:$0x3FB9] =	sst s0;
	s0 =	simm.s32 @!p2 $0x0  }
0x16: {  	s3 =	sld [smem:$0x3FDB];
	s0 =	simm.s32 @p2 $0x1  }
0x17: {  	s4 =	simm.s32 $0x1BF5;
	[smem:$0x3FBB] =	sst s0  }
0x18: {  	s0 =	sld [smem:$0x3F9E];
	_ =	swait.ge [sflag:s4], $0x0  }
0x19: {  	s7 =	sld [smem:$0x3F9F]  }
0x1a: {  	s8 =	sadd.s32 $0xFFFFE003, lr  }
0x1b: {  	s9 =	sadd.s32 $0xFFFFFEF7, lr;
	s5 =	simm.s32 $0xFFFFFFFF;
	p2 =	slt.u32 s8, $0xFFFFF086  }
0x1c: {  	p1 =	slt.u32 s9, $0xF7A;
	s5 =	simm.s32 @!p2 $0x0  }
0x1d: {  	s5 =	simm.s32 @p1 $0x1;
	p0 =	seq.s32 s7, s2  }
0x1e: {  	s7 =	smul.u32 @!p0 $0xF7A, s2;
	p2 =	seq.s32 @!p0 s5, $0x0  }
0x1f: {  	s9 =	smul.u32 $0xF7A, s1;
	s8 =	simm.s32 @!p0 $0x1BF5;
	p2 =	por !p2, p0  }
0x20: {  	[sflag:s8] =	ssyncset.s32 @!p0 $0xFFFFF086;
	s6 =	sadd.s32 @!p0 s3, s7;
	s7 =	simm.s32 @!p0 $0x108  }
0x21: {  	s3 =	sadd.s32 s3, s9;
	s6 =	sadd.s32 @!p0 $0x88, s6;
	s7 =	simm.s32 @p2 $0x1082  }
0x22: {  	[simem:s7], [sflag:s8] =	dma.local @!p0 [hbm:s6], $0xF7A  }
0x23: {  	s9 =	sor.u32 $0xD0000000, s2;
	s6 =	simm.s32 $0x108;
	_ =	swait.ge @!p0 [sflag:s8], $0x0  }
0x24: {  	s3 =	sadd.s32 $0x88, s3;
	s6 =	simm.s32 @!p1 $0x1082;
	[sflag:s4] =	ssyncset.s32 $0xFFFFF086  }
0x25: {  	[simem:s6], [sflag:s4] =	dma.local [hbm:s3], $0xF7A  }
0x26: {  	[smem:$0x3F9F] =	sst s1;
	(tag) =	ssettag s2;
	_ =	strace s9  }
0x27: {  	s1 =	sld [smem:$0x3FAF]  }
0x28: {  	s2 =	sld [smem:$0x3FB0]  }
0x29: {  	s4 =	sld [smem:$0x3FB2]  }
0x2a: {  	p0 =	seq.s32 s5, $0x0;
	s5 =	sld [smem:$0x3FB3]  }
0x2b: {  	s6 =	sld [smem:$0x3FB4]  }
0x2c: {  	s7 =	sld [smem:$0x3FB5]  }
0x2d: {  	s3 =	simm.s32 $0x108;
	s8 =	sld [smem:$0x3FB6]  }
0x2e: {  	s3 =	simm.s32 @!p0 $0x1082;
	s9 =	sld [smem:$0x3FB7]  }
0x2f: {  	lr =	sadd.s32 s0, s3;
	s0 =	sld [smem:$0x3FAE]  }
0x30: {  	s3 =	sld [smem:$0x3FB1]  }
0x31: {  	[smem:$0x3FBA] =	sst s10  }
0x32: {  	s10 =	sld [smem:$0x3FB8];
	_ =	sdelay $0x3  }
0x33: {  	p0 =	seq.s32 s10, $0x1;
	s10 =	sld [smem:$0x3FBA];
	_ =	sdelay $0x3  }
0x34: {  	[smem:$0x3FBA] =	sst s10  }
0x35: {  	s10 =	sld [smem:$0x3FB9];
	_ =	sdelay $0x3  }
0x36: {  	p1 =	seq.s32 s10, $0x1;
	s10 =	sld [smem:$0x3FBA];
	_ =	sdelay $0x3  }
0x37: {  	[smem:$0x3FBA] =	sst s10  }
0x38: {  	s10 =	sld [smem:$0x3FBB]  }
0x39: {  	_ = 	snop;
	(pc) =	sbr.ind lr, $3  }
0x3a: {  	_ = 	snop  }
0x3b: {  	_ = 	snop  }
0x3c: {  	p2 =	seq.s32 s10, $0x1;
	s10 =	sld [smem:$0x3FBA]  }
0x3d: {  	_ =	shalt  }
0x3e: {  	_ =	shalt  }
0x3f: {  	_ =	shalt  }
0x40: {  	_ =	shalt  }
0x41: {  	_ =	shalt  }
0x42: {  	_ =	shalt  }
0x43: {  	_ =	shalt  }
0x44: {  	_ =	shalt  }
0x45: {  	_ =	shalt  }
0x46: {  	_ =	shalt  }
0x47: {  	_ =	shalt  }
0x48: {  	_ =	shalt  }
0x49: {  	_ =	shalt  }
0x4a: {  	_ =	shalt  }
0x4b: {  	_ =	shalt  }
0x4c: {  	_ =	shalt  }
0x4d: {  	_ =	shalt  }
0x4e: {  	_ =	shalt  }
0x4f: {  	_ =	shalt  }
0x50: {  	_ =	shalt  }
0x51: {  	_ =	shalt  }
0x52: {  	_ =	shalt  }
0x53: {  	_ =	shalt  }
0x54: {  	_ =	shalt  }
0x55: {  	_ =	shalt  }
0x56: {  	_ =	shalt  }
0x57: {  	_ =	shalt  }
0x58: {  	_ =	shalt  }
0x59: {  	_ =	shalt  }
0x5a: {  	_ =	shalt  }
0x5b: {  	_ =	shalt  }
0x5c: {  	_ =	shalt  }
0x5d: {  	_ =	shalt  }
0x5e: {  	_ =	shalt  }
0x5f: {  	_ =	shalt  }
0x60: {  	_ =	shalt  }
0x61: {  	_ =	shalt  }
0x62: {  	_ =	shalt  }
0x63: {  	_ =	shalt  }
0x64: {  	_ =	shalt  }
0x65: {  	_ =	shalt  }
0x66: {  	_ =	shalt  }
0x67: {  	_ =	shalt  }
0x68: {  	_ =	shalt  }
0x69: {  	_ =	shalt  }
0x6a: {  	_ =	shalt  }
0x6b: {  	_ =	shalt  }
0x6c: {  	_ =	shalt  }
0x6d: {  	_ =	shalt  }
0x6e: {  	_ =	shalt  }
0x6f: {  	_ =	shalt  }
0x70: {  	_ =	shalt  }
0x71: {  	_ =	shalt  }
0x72: {  	_ =	shalt  }
0x73: {  	_ =	shalt  }
0x74: {  	_ =	shalt  }
0x75: {  	_ =	shalt  }
0x76: {  	_ =	shalt  }
0x77: {  	_ =	shalt  }
0x78: {  	_ =	shalt  }
0x79: {  	_ =	shalt  }
0x7a: {  	_ =	shalt  }
0x7b: {  	_ =	shalt  }
0x7c: {  	_ =	shalt  }
0x7d: {  	_ =	shalt  }
0x7e: {  	_ =	shalt  }
0x7f: {  	_ =	shalt  }
0x80: {  	_ =	shalt  }
0x81: {  	_ =	shalt  }
0x82: {  	_ =	shalt  }
0x83: {  	_ =	shalt  }
0x84: {  	_ =	shalt  }
0x85: {  	_ =	shalt  }
0x86: {  	_ =	shalt  }
0x87: {  	_ =	shalt  }
.Lfunc_end0:
.L_simem_size_0:
called_computation_lowered:
.L_overlay_start_0:
0x88: {  	s2 =	sld [smem:$0x3FD9]  }
0x89: {  	s3 =	sld [smem:$0x3FFE];
	_ =	sdelay $0x1  }
0x8a: {  	s1 =	srdreg.scid  }
0x8b: {  	s0 =	sand.u32 $0x1, s1  }
0x8c: {  	s15 =	sshll.u32 s0, $0xA;
	s2 =	sadd.s32 s3, s2  }
0x8d: {  	s2 =	sadd.s32 s2, s15  }
0x8e: {  	[smem:$0x3FC6] =	sst s2  }
0x8f: {  	_ = 	snop  }
0x90: {  	s2 =	sld [smem:$0x3FD0];
	_ =	sdelay $0x2  }
0x91: {  	s4 =	simm.s32 $0xA;
	s5 =	simm.s32 $0x10;
	s16 =	sld [smem:$0x3FC8]  }
0x92: {  	[smem:s5], [sflag:s4] =	dma.local [hbm:s2], $0x1  }
0x93: {  	_ =	swait.eq [sflag:s4], $0x1  }
0x94: {  	[sflag:s4] =	ssyncset.done $0x0  }
0x95: {  	s17 =	sld [smem:$0x10];
	[sflag:s4] =	ssyncadd.s32 $0xFFFFFFFF  }
0x96: {  	s18 =	sld [smem:$0x11];
	(tm) =	ssettm $0x1  }
0x97: {  	s19 =	sld [smem:$0x3FFB];
	_ =	sdelay $0x3  }
0x98: {  	_ =	strace s19  }
0x99: {  	s5 =	sld [smem:$0x3FFC];
	_ =	sdelay $0x3  }
0x9a: {  	_ =	strace s5  }
0x9b: {  	s5 =	sld [smem:$0x3FFD];
	_ =	sdelay $0x3  }
0x9c: {  	_ =	strace s5  }
0x9d: {  	_ =	strace $0x8FFFFFFF  }
0x9e: {  	s20 =	sld [smem:$0x3FDB];
	_ =	sdelay $0x1  }
0x9f: {  	s6 =	simm.s32 $_scs_section_size  }
0xa0: {  	s7 =	simm.s32 $_size__tile_overlayer_lowered;
	s8 =	simm.s32 $_tile_overlayer_lowered  }
0xa1: {  	s23 =	simm.s32 $0x1BFF;
	s22 =	sshll.u32 s8, $0x1;
	s5 =	sadd.s32 s6, s20  }
0xa2: {  	s9 =	simm.s32 $0x0;
	s21 =	sshll.u32 s7, $0x1;
	s7 =	sadd.s32 s22, s5  }
0xa3: {  	[timem:s9], [sflag:s23] =	dma.local [hbm:s7], s21  }
0xa4: {  	_ =	swait.ge [sflag:s23], s21  }
0xa5: {  	s6 =	ssub.s32 $0x0, s21;
	[sflag:s23] =	ssyncset.done $0x0  }
0xa6: {  	[sflag:s23] =	ssyncadd.s32 s6;
	_ =	sdelay $0x1  }
0xa7: {  	s24 =	simm.s32 $0x1B8B  }
0xa8: {  	_ =	swait.ge [sflag:s24], $0x1  }
0xa9: {  	[sflag:s24] =	ssyncset.done $0x0  }
0xaa: {  	s25 =	simm.s32 $0x1B8E;
	[sflag:s24] =	ssyncadd.s32 $0xFFFFFFFF  }
0xab: {  	s26 =	simm.s32 $execute0_lowered;
	[smem:$0x3FD2] =	sst s25  }
0xac: {  	s6 =	sshll.u32 s26, $0x1;
	_ =	strace $0x80000046;
	[dreg:$0x1] =	wrdreg $0xFFFFFFFF  }
0xad: {  	s28 =	simm.s32 $_size_execute0_lowered;
	s5 =	sadd.s32 s5, s6;
	[dreg:$0x0] =	wrdreg $0x0  }
0xae: {  	s6 =	sshll.u32 s28, $0x1;
	[dreg:$0x2] =	wrdreg s5  }
0xaf: {  	[dreg:$0x3] =	wrdreg s6  }
0xb0: {  	[dreg:$0x4] =	wrdreg $0xC0  }
0xb1: {  	_ =	task [dreg:s9], $0x5FFFF  }
0xb2: {  	[dreg:$0x1] =	wrdreg $0xFFFFFFFF  }
0xb3: {  	[dreg:$0x0] =	wrdreg $0x60  }
0xb4: {  	[dreg:$0x2] =	wrdreg s16  }
0xb5: {  	[dreg:$0x3] =	wrdreg s18  }
0xb6: {  	[dreg:$0x4] =	wrdreg s17  }
0xb7: {  	[dreg:$0x5] =	wrdreg $0x9  }
0xb8: {  	_ =	task.clear_ibuf [dreg:s9], $0x6FFFF;
	_ =	strace $0x90000046  }
0xb9: {  	s29 =	simm.s32 $0x9;
	_ =	strace $0x80000048  }
0xba: {  	_ =	swait.ge [sflag:s29], $0x1  }
0xbb: {  	[sflag:s29] =	ssyncadd.s32 $0xFFFFFFFF  }
0xbc: {  	_ =	strace $0x90000048  }
0xbd: {  	_ =	sfence  }
0xbe: {  	s30 =	sld [smem:$0x0];
	_ =	sdelay $0x2  }
0xbf: {  	s31 =	sshll.u32 s1, $0xD;
	s1 =	sshrl.u32 s1, $0x2  }
0xc0: {  	s3 =	sand.u32 $0x4000, s31;
	s1 =	sadd.s32 s1, s30  }
0xc1: {  	s0 =	sor.u32 s3, s0;
	s1 =	sshll.u32 s1, $0x11  }
0xc2: {  	s0 =	sor.u32 s1, s0  }
0xc3: {  	s0 =	sadd.s32 $0x8F2B, s0  }
0xc4: {  	[sflag:s0] =	ssyncadd.remote.s32 $0x1  }
0xc5: {  	_ =	sfence.sel $0xFFFF  }
0xc6: {  	[dreg:$0x0] =	wrdreg $0xFFFFFFFF;
	(pc) =	sbr.abs _section_cstart, $3  }
0xc7: {  	[dreg:$0x1] =	wrdreg $0xFFFFFFFF  }
0xc8: {  	_ =	task.clear_ibuf [dreg:s9], $0x2FFFF;
	_ =	strace $0x9FFFFFFF  }
0xc9: {  	(tm) =	ssettm $0x7FFFFFFF  }
tec
execute0_lowered:
.L_overlay_start_1:
0x0: {  	(tag) =	ssettag $0x1  }
0x1: {  	s1 =	rddreg [dreg:$0x0]  }
0x2: {  	s0 =	srdreg.scid;
	s2 =	rddreg [dreg:$0x1]  }
0x3: {  	s3 =	stileid.u32;
	s4 =	rddreg [dreg:$0x2];
	s15 =	simm.s32 $0x2  }
0x4: {  	s17 =	simm.s32 $0x1200;
	s18 =	simm.s32 $0x1A00;
	s19 =	simm.s32 $0x2200  }
0x5: {  	s20 =	simm.s32 $0x2A00;
	s21 =	simm.s32 $0x3200;
	s22 =	simm.s32 $0x3A00  }
0x6: {  	s28 =	simm.s32 $0x5A00;
	s29 =	simm.s32 $0x6200;
	s30 =	simm.s32 $0x6A00  }
0x7: {  	s31 =	simm.s32 $0x7200;
	s8 =	simm.s32 $0x9200;
	s9 =	simm.s32 $0x9A00  }
0x8: {  	s10 =	simm.s32 $0xA200;
	s11 =	simm.s32 $0xAA00;
	s0 =	sand.u32 $0x1, s0  }
0x9: {  	s13 =	simm.s32 $0xBA00;
	s5 =	sshll.u32 s3, $0xA;
	s6 =	sshll.u32 s0, $0x9  }
0xa: {  	s14 =	simm.s32 $0x200;
	s3 =	simm.s32 $0x0;
	s5 =	sor.u32 s6, s5  }
0xb: {  	[smem:$0x7FF] =	sst s3;
	s0 =	ssub.s32 $0x2, s0;
	s6 =	sshrl.u32 s5, $0x3  }
0xc: {  	_ =	strace $0x80000047;
	s5 =	sshll.u32 s5, $0x5;
	s2 =	sadd.s32 s2, s6  }
0xd: {  	s25 =	sshrl.u32 s0, $0x1;
	s4 =	sadd.s32 s4, s5;
	[dreg:$0x4] =	wrdreg s2  }
0xe: {  	s0 =	ssub.s32 s0, s25;
	s23 =	sadd.s32 $0x1000, s4;
	[dreg:$0x8] =	wrdreg s4  }
0xf: {  	s25 =	simm.s32 $0x4A00;
	s24 =	sadd.s32 $0x2000, s4;
	[dreg:$0x5] =	wrdreg s23  }
0x10: {  	v2 =	vlaneseq.u32;
	s5 =	smax.u32 s0, $0x1;
	s26 =	sadd.s32 $0x3000, s4;
	[dreg:$0x6] =	wrdreg s24  }
0x11: {  	vm0 =	vmmov $0xffff;
	v1 =	vshrl.u32 v2, $0x3;
	s6 =	simm.s32 $0x3;
	s4 =	simm.s32 $0x1;
	[dreg:$0x7] =	wrdreg s26  }
0x12: {  	v0 =	vand.u32 $0x7, v2;
	v2 =	vor.u32 $0x8, v2;
	v1 =	vmul.u32 $0x8, v1;
	s24 =	simm.s32 $0x4200;
	s26 =	simm.s32 $0x5200;
	s23 =	simm.s32 $0x8A00  }
.LBB2_1:
0x13: {  	s16 =	rddreg [dreg:$0x4]  }
0x14: {  	[tilespmem:s3], [sflag:$0x3] =	stream.linear.gather [hbm4b:s16+s3], $0x200, $0x38;
	[tilespmem:$0x10200] =	vst v63  }
0x15: {  	_ =	swait.ge [sflag:s6], $0x200  }
0x16: {  	[sflag:s6] =	ssyncset.done $0x0  }
0x17: {  	[sflag:s6] =	ssyncadd.s32 $0xFFFFFE00  }
0x18: {  	v3 =	vld [tilespmem:$0x0];
	_ =	sdelay $0x4  }
0x19: {  	v4 =	vshll.u32 v3, $0x1  }
0x1a: {  	v3 =	vand.u32 $0x7, v3;
	v4 =	vand.u32 $0xFFFFFFF0, v4  }
0x1b: {  	v3 =	vor.u32 v3, v4  }
0x1c: {  	v4 =	vperm.xlane v3, v0;
	_ =	sdelay $0x1  }
0x1d: {  	v3 =	vperm.xlane v3, v2;
	v4 =	vadd.s32 v1, v4;
	_ =	sdelay $0x1  }
0x1e: {  	v3 =	vadd.s32 v1, v3;
	_ =	sdelay $0x1  }
0x1f: {  	s0 =	simm.s32 $0x200  }
0x20: {  	[tilespmem:s0], [sflag:$0x1] =	stream.indirect_vreg.gather [hbm4b:s1+s3], $0x80, v4, vm0, $0xb8;
	[tilespmem:$0x10200] =	vst v63  }
0x21: {  	s16 =	simm.s32 $0xA00  }
0x22: {  	[tilespmem:s16], [sflag:$0x1] =	stream.indirect_vreg.gather [hbm4b:s1+s3], $0x80, v3, vm0, $0xb8;
	[tilespmem:$0x10200] =	vst v63  }
0x23: {  	v3 =	vld [tilespmem:$0x10];
	_ =	sdelay $0x4  }
0x24: {  	v33 =	vshll.u32 v3, $0x1  }
0x25: {  	v3 =	vand.u32 $0x7, v3;
	v4 =	vand.u32 $0xFFFFFFF0, v33  }
0x26: {  	v3 =	vor.u32 v3, v4  }
0x27: {  	v4 =	vperm.xlane v3, v0;
	_ =	sdelay $0x1  }
0x28: {  	v3 =	vperm.xlane v3, v2;
	v4 =	vadd.s32 v1, v4;
	_ =	sdelay $0x1  }
0x29: {  	v3 =	vadd.s32 v1, v3;
	_ =	sdelay $0x2  }
0x2a: {  	[tilespmem:s17], [sflag:$0x1] =	stream.indirect_vreg.gather [hbm4b:s1+s3], $0x80, v4, vm0, $0xb8;
	[tilespmem:$0x10200] =	vst v63  }
0x2b: {  	_ = 	snop  }
0x2c: {  	[tilespmem:s18], [sflag:$0x1] =	stream.indirect_vreg.gather [hbm4b:s1+s3], $0x80, v3, vm0, $0xb8;
	[tilespmem:$0x10200] =	vst v63  }
0x2d: {  	v3 =	vld [tilespmem:$0x20];
	_ =	sdelay $0x4  }
0x2e: {  	v34 =	vshll.u32 v3, $0x1  }
0x2f: {  	v3 =	vand.u32 $0x7, v3;
	v4 =	vand.u32 $0xFFFFFFF0, v34  }
0x30: {  	v3 =	vor.u32 v3, v4  }
0x31: {  	v4 =	vperm.xlane v3, v0;
	_ =	sdelay $0x1  }
0x32: {  	v3 =	vperm.xlane v3, v2;
	v4 =	vadd.s32 v1, v4;
	_ =	sdelay $0x1  }
0x33: {  	v3 =	vadd.s32 v1, v3;
	_ =	sdelay $0x2  }
0x34: {  	[tilespmem:s19], [sflag:$0x1] =	stream.indirect_vreg.gather [hbm4b:s1+s3], $0x80, v4, vm0, $0xb8;
	[tilespmem:$0x10200] =	vst v63  }
0x35: {  	_ = 	snop  }
0x36: {  	[tilespmem:s20], [sflag:$0x1] =	stream.indirect_vreg.gather [hbm4b:s1+s3], $0x80, v3, vm0, $0xb8;
	[tilespmem:$0x10200] =	vst v63  }
0x37: {  	v3 =	vld [tilespmem:$0x30];
	_ =	sdelay $0x4  }
0x38: {  	v35 =	vshll.u32 v3, $0x1  }
0x39: {  	v3 =	vand.u32 $0x7, v3;
	v4 =	vand.u32 $0xFFFFFFF0, v35  }
0x3a: {  	v3 =	vor.u32 v3, v4  }
0x3b: {  	v4 =	vperm.xlane v3, v0;
	_ =	sdelay $0x1  }
0x3c: {  	v3 =	vperm.xlane v3, v2;
	v4 =	vadd.s32 v1, v4;
	_ =	sdelay $0x1  }
0x3d: {  	v3 =	vadd.s32 v1, v3;
	_ =	sdelay $0x2  }
0x3e: {  	[tilespmem:s21], [sflag:$0x1] =	stream.indirect_vreg.gather [hbm4b:s1+s3], $0x80, v4, vm0, $0xb8;
	[tilespmem:$0x10200] =	vst v63  }
0x3f: {  	_ = 	snop  }
0x40: {  	[tilespmem:s22], [sflag:$0x1] =	stream.indirect_vreg.gather [hbm4b:s1+s3], $0x80, v3, vm0, $0xb8;
	[tilespmem:$0x10200] =	vst v63  }
0x41: {  	v3 =	vld [tilespmem:$0x40];
	_ =	sdelay $0x4  }
0x42: {  	v36 =	vshll.u32 v3, $0x1  }
0x43: {  	v3 =	vand.u32 $0x7, v3;
	v4 =	vand.u32 $0xFFFFFFF0, v36  }
0x44: {  	v3 =	vor.u32 v3, v4  }
0x45: {  	v4 =	vperm.xlane v3, v0;
	_ =	sdelay $0x1  }
0x46: {  	v3 =	vperm.xlane v3, v2;
	v4 =	vadd.s32 v1, v4;
	_ =	sdelay $0x1  }
0x47: {  	v3 =	vadd.s32 v1, v3;
	_ =	sdelay $0x2  }
0x48: {  	[tilespmem:s24], [sflag:$0x1] =	stream.indirect_vreg.gather [hbm4b:s1+s3], $0x80, v4, vm0, $0xb8;
	[tilespmem:$0x10200] =	vst v63  }
0x49: {  	_ = 	snop  }
0x4a: {  	[tilespmem:s25], [sflag:$0x1] =	stream.indirect_vreg.gather [hbm4b:s1+s3], $0x80, v3, vm0, $0xb8;
	[tilespmem:$0x10200] =	vst v63  }
0x4b: {  	v3 =	vld [tilespmem:$0x50];
	_ =	sdelay $0x4  }
0x4c: {  	v37 =	vshll.u32 v3, $0x1  }
0x4d: {  	v3 =	vand.u32 $0x7, v3;
	v4 =	vand.u32 $0xFFFFFFF0, v37  }
0x4e: {  	v3 =	vor.u32 v3, v4  }
0x4f: {  	v4 =	vperm.xlane v3, v0;
	_ =	sdelay $0x1  }
0x50: {  	v3 =	vperm.xlane v3, v2;
	v4 =	vadd.s32 v1, v4;
	_ =	sdelay $0x1  }
0x51: {  	v3 =	vadd.s32 v1, v3;
	_ =	sdelay $0x2  }
0x52: {  	[tilespmem:s26], [sflag:$0x1] =	stream.indirect_vreg.gather [hbm4b:s1+s3], $0x80, v4, vm0, $0xb8;
	[tilespmem:$0x10200] =	vst v63  }
0x53: {  	_ = 	snop  }
0x54: {  	[tilespmem:s28], [sflag:$0x1] =	stream.indirect_vreg.gather [hbm4b:s1+s3], $0x80, v3, vm0, $0xb8;
	[tilespmem:$0x10200] =	vst v63  }
0x55: {  	v3 =	vld [tilespmem:$0x60];
	_ =	sdelay $0x4  }
0x56: {  	v38 =	vshll.u32 v3, $0x1  }
0x57: {  	v3 =	vand.u32 $0x7, v3;
	v4 =	vand.u32 $0xFFFFFFF0, v38  }
0x58: {  	v3 =	vor.u32 v3, v4  }
0x59: {  	v4 =	vperm.xlane v3, v0;
	_ =	sdelay $0x1  }
0x5a: {  	v3 =	vperm.xlane v3, v2;
	v4 =	vadd.s32 v1, v4;
	_ =	sdelay $0x1  }
0x5b: {  	v3 =	vadd.s32 v1, v3;
	_ =	sdelay $0x2  }
0x5c: {  	[tilespmem:s29], [sflag:$0x1] =	stream.indirect_vreg.gather [hbm4b:s1+s3], $0x80, v4, vm0, $0xb8;
	[tilespmem:$0x10200] =	vst v63  }
0x5d: {  	_ = 	snop  }
0x5e: {  	[tilespmem:s30], [sflag:$0x1] =	stream.indirect_vreg.gather [hbm4b:s1+s3], $0x80, v3, vm0, $0xb8;
	[tilespmem:$0x10200] =	vst v63  }
0x5f: {  	v3 =	vld [tilespmem:$0x70];
	_ =	sdelay $0x4  }
0x60: {  	v39 =	vshll.u32 v3, $0x1  }
0x61: {  	v3 =	vand.u32 $0x7, v3;
	v4 =	vand.u32 $0xFFFFFFF0, v39  }
0x62: {  	v3 =	vor.u32 v3, v4  }
0x63: {  	v4 =	vperm.xlane v3, v0;
	_ =	sdelay $0x1  }
0x64: {  	v3 =	vperm.xlane v3, v2;
	v4 =	vadd.s32 v1, v4;
	_ =	sdelay $0x1  }
0x65: {  	v3 =	vadd.s32 v1, v3;
	_ =	sdelay $0x2  }
0x66: {  	[tilespmem:s31], [sflag:$0x1] =	stream.indirect_vreg.gather [hbm4b:s1+s3], $0x80, v4, vm0, $0xb8;
	[tilespmem:$0x10200] =	vst v63  }
0x67: {  	s2 =	simm.s32 $0x7A00  }
0x68: {  	[tilespmem:s2], [sflag:$0x1] =	stream.indirect_vreg.gather [hbm4b:s1+s3], $0x80, v3, vm0, $0xb8;
	[tilespmem:$0x10200] =	vst v63  }
0x69: {  	v3 =	vld [tilespmem:$0x80];
	_ =	sdelay $0x4  }
0x6a: {  	v40 =	vshll.u32 v3, $0x1  }
0x6b: {  	v3 =	vand.u32 $0x7, v3;
	v4 =	vand.u32 $0xFFFFFFF0, v40  }
0x6c: {  	v3 =	vor.u32 v3, v4  }
0x6d: {  	v4 =	vperm.xlane v3, v0;
	_ =	sdelay $0x1  }
0x6e: {  	v3 =	vperm.xlane v3, v2;
	v4 =	vadd.s32 v1, v4;
	_ =	sdelay $0x1  }
0x6f: {  	v3 =	vadd.s32 v1, v3;
	_ =	sdelay $0x1  }
0x70: {  	s0 =	simm.s32 $0x8200  }
0x71: {  	[tilespmem:s0], [sflag:$0x2] =	stream.indirect_vreg.gather [hbm4b:s1+s3], $0x80, v4, vm0, $0xb8;
	[tilespmem:$0x10200] =	vst v63  }
0x72: {  	_ = 	snop  }
0x73: {  	[tilespmem:s23], [sflag:$0x2] =	stream.indirect_vreg.gather [hbm4b:s1+s3], $0x80, v3, vm0, $0xb8;
	[tilespmem:$0x10200] =	vst v63  }
0x74: {  	v3 =	vld [tilespmem:$0x90];
	_ =	sdelay $0x4  }
0x75: {  	v41 =	vshll.u32 v3, $0x1  }
0x76: {  	v3 =	vand.u32 $0x7, v3;
	v4 =	vand.u32 $0xFFFFFFF0, v41  }
0x77: {  	v3 =	vor.u32 v3, v4  }
0x78: {  	v4 =	vperm.xlane v3, v0;
	_ =	sdelay $0x1  }
0x79: {  	v3 =	vperm.xlane v3, v2;
	v4 =	vadd.s32 v1, v4;
	_ =	sdelay $0x1  }
0x7a: {  	v3 =	vadd.s32 v1, v3;
	_ =	sdelay $0x2  }
0x7b: {  	[tilespmem:s8], [sflag:$0x2] =	stream.indirect_vreg.gather [hbm4b:s1+s3], $0x80, v4, vm0, $0xb8;
	[tilespmem:$0x10200] =	vst v63  }
0x7c: {  	_ = 	snop  }
0x7d: {  	[tilespmem:s9], [sflag:$0x2] =	stream.indirect_vreg.gather [hbm4b:s1+s3], $0x80, v3, vm0, $0xb8;
	[tilespmem:$0x10200] =	vst v63  }
0x7e: {  	v3 =	vld [tilespmem:$0xA0];
	_ =	sdelay $0x4  }
0x7f: {  	v42 =	vshll.u32 v3, $0x1  }
0x80: {  	v3 =	vand.u32 $0x7, v3;
	v4 =	vand.u32 $0xFFFFFFF0, v42  }
0x81: {  	v3 =	vor.u32 v3, v4  }
0x82: {  	v4 =	vperm.xlane v3, v0;
	_ =	sdelay $0x1  }
0x83: {  	v3 =	vperm.xlane v3, v2;
	v4 =	vadd.s32 v1, v4;
	_ =	sdelay $0x1  }
0x84: {  	v3 =	vadd.s32 v1, v3;
	_ =	sdelay $0x2  }
0x85: {  	[tilespmem:s10], [sflag:$0x2] =	stream.indirect_vreg.gather [hbm4b:s1+s3], $0x80, v4, vm0, $0xb8;
	[tilespmem:$0x10200] =	vst v63  }
0x86: {  	_ = 	snop  }
0x87: {  	[tilespmem:s11], [sflag:$0x2] =	stream.indirect_vreg.gather [hbm4b:s1+s3], $0x80, v3, vm0, $0xb8;
	[tilespmem:$0x10200] =	vst v63  }
0x88: {  	v3 =	vld [tilespmem:$0xB0];
	_ =	sdelay $0x4  }
0x89: {  	v43 =	vshll.u32 v3, $0x1  }
0x8a: {  	v3 =	vand.u32 $0x7, v3;
	v4 =	vand.u32 $0xFFFFFFF0, v43  }
0x8b: {  	v3 =	vor.u32 v3, v4  }
0x8c: {  	v4 =	vperm.xlane v3, v0;
	_ =	sdelay $0x1  }
0x8d: {  	v3 =	vperm.xlane v3, v2;
	v4 =	vadd.s32 v1, v4;
	_ =	sdelay $0x1  }
0x8e: {  	v3 =	vadd.s32 v1, v3;
	_ =	sdelay $0x1  }
0x8f: {  	s7 =	simm.s32 $0xB200  }
0x90: {  	[tilespmem:s7], [sflag:$0x2] =	stream.indirect_vreg.gather [hbm4b:s1+s3], $0x80, v4, vm0, $0xb8;
	[tilespmem:$0x10200] =	vst v63  }
0x91: {  	_ = 	snop  }
0x92: {  	[tilespmem:s13], [sflag:$0x2] =	stream.indirect_vreg.gather [hbm4b:s1+s3], $0x80, v3, vm0, $0xb8;
	[tilespmem:$0x10200] =	vst v63  }
0x93: {  	v3 =	vld [tilespmem:$0xC0];
	_ =	sdelay $0x4  }
0x94: {  	v44 =	vshll.u32 v3, $0x1  }
0x95: {  	v3 =	vand.u32 $0x7, v3;
	v4 =	vand.u32 $0xFFFFFFF0, v44  }
0x96: {  	v3 =	vor.u32 v3, v4  }
0x97: {  	v4 =	vperm.xlane v3, v0;
	_ =	sdelay $0x1  }
0x98: {  	v3 =	vperm.xlane v3, v2;
	v4 =	vadd.s32 v1, v4;
	_ =	sdelay $0x1  }
0x99: {  	v3 =	vadd.s32 v1, v3;
	_ =	sdelay $0x1  }
0x9a: {  	s7 =	simm.s32 $0xC200  }
0x9b: {  	[tilespmem:s7], [sflag:$0x2] =	stream.indirect_vreg.gather [hbm4b:s1+s3], $0x80, v4, vm0, $0xb8;
	[tilespmem:$0x10200] =	vst v63  }
0x9c: {  	s12 =	simm.s32 $0xCA00  }
0x9d: {  	[tilespmem:s12], [sflag:$0x2] =	stream.indirect_vreg.gather [hbm4b:s1+s3], $0x80, v3, vm0, $0xb8;
	[tilespmem:$0x10200] =	vst v63  }
0x9e: {  	v3 =	vld [tilespmem:$0xD0];
	_ =	sdelay $0x4  }
0x9f: {  	v45 =	vshll.u32 v3, $0x1  }
0xa0: {  	v3 =	vand.u32 $0x7, v3;
	v4 =	vand.u32 $0xFFFFFFF0, v45  }
0xa1: {  	v3 =	vor.u32 v3, v4  }
0xa2: {  	v4 =	vperm.xlane v3, v0;
	_ =	sdelay $0x1  }
0xa3: {  	v3 =	vperm.xlane v3, v2;
	v4 =	vadd.s32 v1, v4;
	_ =	sdelay $0x1  }
0xa4: {  	v3 =	vadd.s32 v1, v3;
	_ =	sdelay $0x1  }
0xa5: {  	s12 =	simm.s32 $0xD200  }
0xa6: {  	[tilespmem:s12], [sflag:$0x2] =	stream.indirect_vreg.gather [hbm4b:s1+s3], $0x80, v4, vm0, $0xb8;
	[tilespmem:$0x10200] =	vst v63  }
0xa7: {  	s12 =	simm.s32 $0xDA00  }
0xa8: {  	[tilespmem:s12], [sflag:$0x2] =	stream.indirect_vreg.gather [hbm4b:s1+s3], $0x80, v3, vm0, $0xb8;
	[tilespmem:$0x10200] =	vst v63  }
0xa9: {  	v3 =	vld [tilespmem:$0xE0];
	_ =	sdelay $0x4  }
0xaa: {  	v46 =	vshll.u32 v3, $0x1  }
0xab: {  	v3 =	vand.u32 $0x7, v3;
	v4 =	vand.u32 $0xFFFFFFF0, v46  }
0xac: {  	v3 =	vor.u32 v3, v4  }
0xad: {  	v4 =	vperm.xlane v3, v0;
	_ =	sdelay $0x1  }
0xae: {  	v3 =	vperm.xlane v3, v2;
	v4 =	vadd.s32 v1, v4;
	_ =	sdelay $0x1  }
0xaf: {  	v3 =	vadd.s32 v1, v3;
	_ =	sdelay $0x1  }
0xb0: {  	s12 =	simm.s32 $0xE200  }
0xb1: {  	[tilespmem:s12], [sflag:$0x2] =	stream.indirect_vreg.gather [hbm4b:s1+s3], $0x80, v4, vm0, $0xb8;
	[tilespmem:$0x10200] =	vst v63  }
0xb2: {  	s12 =	simm.s32 $0xEA00  }
0xb3: {  	[tilespmem:s12], [sflag:$0x2] =	stream.indirect_vreg.gather [hbm4b:s1+s3], $0x80, v3, vm0, $0xb8;
	[tilespmem:$0x10200] =	vst v63  }
0xb4: {  	v3 =	vld [tilespmem:$0xF0];
	_ =	sdelay $0x4  }
0xb5: {  	v47 =	vshll.u32 v3, $0x1  }
0xb6: {  	v3 =	vand.u32 $0x7, v3;
	v4 =	vand.u32 $0xFFFFFFF0, v47  }
0xb7: {  	v3 =	vor.u32 v3, v4  }
0xb8: {  	v4 =	vperm.xlane v3, v0;
	_ =	sdelay $0x1  }
0xb9: {  	v3 =	vperm.xlane v3, v2;
	v4 =	vadd.s32 v1, v4;
	_ =	sdelay $0x1  }
0xba: {  	v3 =	vadd.s32 v1, v3;
	_ =	sdelay $0x1  }
0xbb: {  	s12 =	simm.s32 $0xF200  }
0xbc: {  	[tilespmem:s12], [sflag:$0x2] =	stream.indirect_vreg.gather [hbm4b:s1+s3], $0x80, v4, vm0, $0xb8;
	[tilespmem:$0x10200] =	vst v63  }
0xbd: {  	s12 =	simm.s32 $0xFA00  }
0xbe: {  	[tilespmem:s12], [sflag:$0x2] =	stream.indirect_vreg.gather [hbm4b:s1+s3], $0x80, v3, vm0, $0xb8;
	[tilespmem:$0x10200] =	vst v63  }
0xbf: {  	_ =	swait.ge [sflag:s4], $0x8000  }
0xc0: {  	[sflag:s4] =	ssyncset.done $0x0  }
0xc1: {  	s12 =	rddreg [dreg:$0x8];
	[sflag:s4] =	ssyncadd.s32 $0xFFFF8000  }
0xc2: {  	[hbm4b:s12+s3] =	stream.linear.scatter [tilespmem:s14], [sflag:$0x3], $0x8000, $0x38;
	[tilespmem:$0x10200] =	vst v63  }
0xc3: {  	_ =	swait.ge [sflag:s6], $0x8000  }
0xc4: {  	[sflag:s6] =	ssyncset.done $0x0  }
0xc5: {  	[sflag:s6] =	ssyncadd.s32 $0xFFFF8000  }
0xc6: {  	v3 =	vld [tilespmem:$0x100];
	_ =	sdelay $0x4  }
0xc7: {  	v48 =	vshll.u32 v3, $0x1  }
0xc8: {  	v3 =	vand.u32 $0x7, v3;
	v4 =	vand.u32 $0xFFFFFFF0, v48  }
0xc9: {  	v3 =	vor.u32 v3, v4  }
0xca: {  	v4 =	vperm.xlane v3, v0;
	_ =	sdelay $0x1  }
0xcb: {  	v3 =	vperm.xlane v3, v2;
	v4 =	vadd.s32 v1, v4;
	_ =	sdelay $0x1  }
0xcc: {  	v3 =	vadd.s32 v1, v3;
	_ =	sdelay $0x2  }
0xcd: {  	[tilespmem:s14], [sflag:$0x1] =	stream.indirect_vreg.gather [hbm4b:s1+s3], $0x80, v4, vm0, $0xb8;
	[tilespmem:$0x10200] =	vst v63  }
0xce: {  	_ = 	snop  }
0xcf: {  	[tilespmem:s16], [sflag:$0x1] =	stream.indirect_vreg.gather [hbm4b:s1+s3], $0x80, v3, vm0, $0xb8;
	[tilespmem:$0x10200] =	vst v63  }
0xd0: {  	v3 =	vld [tilespmem:$0x110];
	_ =	sdelay $0x4  }
0xd1: {  	v49 =	vshll.u32 v3, $0x1  }
0xd2: {  	v3 =	vand.u32 $0x7, v3;
	v4 =	vand.u32 $0xFFFFFFF0, v49  }
0xd3: {  	v3 =	vor.u32 v3, v4  }
0xd4: {  	v4 =	vperm.xlane v3, v0;
	_ =	sdelay $0x1  }
0xd5: {  	v3 =	vperm.xlane v3, v2;
	v4 =	vadd.s32 v1, v4;
	_ =	sdelay $0x1  }
0xd6: {  	v3 =	vadd.s32 v1, v3;
	_ =	sdelay $0x2  }
0xd7: {  	[tilespmem:s17], [sflag:$0x1] =	stream.indirect_vreg.gather [hbm4b:s1+s3], $0x80, v4, vm0, $0xb8;
	[tilespmem:$0x10200] =	vst v63  }
0xd8: {  	_ = 	snop  }
0xd9: {  	[tilespmem:s18], [sflag:$0x1] =	stream.indirect_vreg.gather [hbm4b:s1+s3], $0x80, v3, vm0, $0xb8;
	[tilespmem:$0x10200] =	vst v63  }
0xda: {  	v3 =	vld [tilespmem:$0x120];
	_ =	sdelay $0x4  }
0xdb: {  	v50 =	vshll.u32 v3, $0x1  }
0xdc: {  	v3 =	vand.u32 $0x7, v3;
	v4 =	vand.u32 $0xFFFFFFF0, v50  }
0xdd: {  	v3 =	vor.u32 v3, v4  }
0xde: {  	v4 =	vperm.xlane v3, v0;
	_ =	sdelay $0x1  }
0xdf: {  	v3 =	vperm.xlane v3, v2;
	v4 =	vadd.s32 v1, v4;
	_ =	sdelay $0x1  }
0xe0: {  	v3 =	vadd.s32 v1, v3;
	_ =	sdelay $0x2  }
0xe1: {  	[tilespmem:s19], [sflag:$0x1] =	stream.indirect_vreg.gather [hbm4b:s1+s3], $0x80, v4, vm0, $0xb8;
	[tilespmem:$0x10200] =	vst v63  }
0xe2: {  	_ = 	snop  }
0xe3: {  	[tilespmem:s20], [sflag:$0x1] =	stream.indirect_vreg.gather [hbm4b:s1+s3], $0x80, v3, vm0, $0xb8;
	[tilespmem:$0x10200] =	vst v63  }
0xe4: {  	v3 =	vld [tilespmem:$0x130];
	_ =	sdelay $0x4  }
0xe5: {  	v51 =	vshll.u32 v3, $0x1  }
0xe6: {  	v3 =	vand.u32 $0x7, v3;
	v4 =	vand.u32 $0xFFFFFFF0, v51  }
0xe7: {  	v3 =	vor.u32 v3, v4  }
0xe8: {  	v4 =	vperm.xlane v3, v0;
	_ =	sdelay $0x1  }
0xe9: {  	v3 =	vperm.xlane v3, v2;
	v4 =	vadd.s32 v1, v4;
	_ =	sdelay $0x1  }
0xea: {  	v3 =	vadd.s32 v1, v3;
	_ =	sdelay $0x2  }
0xeb: {  	[tilespmem:s21], [sflag:$0x1] =	stream.indirect_vreg.gather [hbm4b:s1+s3], $0x80, v4, vm0, $0xb8;
	[tilespmem:$0x10200] =	vst v63  }
0xec: {  	_ = 	snop  }
0xed: {  	[tilespmem:s22], [sflag:$0x1] =	stream.indirect_vreg.gather [hbm4b:s1+s3], $0x80, v3, vm0, $0xb8;
	[tilespmem:$0x10200] =	vst v63  }
0xee: {  	v3 =	vld [tilespmem:$0x140];
	_ =	sdelay $0x4  }
0xef: {  	v52 =	vshll.u32 v3, $0x1  }
0xf0: {  	v3 =	vand.u32 $0x7, v3;
	v4 =	vand.u32 $0xFFFFFFF0, v52  }
0xf1: {  	v3 =	vor.u32 v3, v4  }
0xf2: {  	v4 =	vperm.xlane v3, v0;
	_ =	sdelay $0x1  }
0xf3: {  	v3 =	vperm.xlane v3, v2;
	v4 =	vadd.s32 v1, v4;
	_ =	sdelay $0x1  }
0xf4: {  	v3 =	vadd.s32 v1, v3;
	_ =	sdelay $0x2  }
0xf5: {  	[tilespmem:s24], [sflag:$0x1] =	stream.indirect_vreg.gather [hbm4b:s1+s3], $0x80, v4, vm0, $0xb8;
	[tilespmem:$0x10200] =	vst v63  }
0xf6: {  	_ = 	snop  }
0xf7: {  	[tilespmem:s25], [sflag:$0x1] =	stream.indirect_vreg.gather [hbm4b:s1+s3], $0x80, v3, vm0, $0xb8;
	[tilespmem:$0x10200] =	vst v63  }
0xf8: {  	v3 =	vld [tilespmem:$0x150];
	_ =	sdelay $0x4  }
0xf9: {  	v53 =	vshll.u32 v3, $0x1  }
0xfa: {  	v3 =	vand.u32 $0x7, v3;
	v4 =	vand.u32 $0xFFFFFFF0, v53  }
0xfb: {  	v3 =	vor.u32 v3, v4  }
0xfc: {  	v4 =	vperm.xlane v3, v0;
	_ =	sdelay $0x1  }
0xfd: {  	v3 =	vperm.xlane v3, v2;
	v4 =	vadd.s32 v1, v4;
	_ =	sdelay $0x1  }
0xfe: {  	v3 =	vadd.s32 v1, v3;
	_ =	sdelay $0x2  }
0xff: {  	[tilespmem:s26], [sflag:$0x1] =	stream.indirect_vreg.gather [hbm4b:s1+s3], $0x80, v4, vm0, $0xb8;
	[tilespmem:$0x10200] =	vst v63  }
0x100: {  	_ = 	snop  }
0x101: {  	[tilespmem:s28], [sflag:$0x1] =	stream.indirect_vreg.gather [hbm4b:s1+s3], $0x80, v3, vm0, $0xb8;
	[tilespmem:$0x10200] =	vst v63  }
0x102: {  	v3 =	vld [tilespmem:$0x160];
	_ =	sdelay $0x4  }
0x103: {  	v54 =	vshll.u32 v3, $0x1  }
0x104: {  	v3 =	vand.u32 $0x7, v3;
	v4 =	vand.u32 $0xFFFFFFF0, v54  }
0x105: {  	v3 =	vor.u32 v3, v4  }
0x106: {  	v4 =	vperm.xlane v3, v0;
	_ =	sdelay $0x1  }
0x107: {  	v3 =	vperm.xlane v3, v2;
	v4 =	vadd.s32 v1, v4;
	_ =	sdelay $0x1  }
0x108: {  	v3 =	vadd.s32 v1, v3;
	_ =	sdelay $0x2  }
0x109: {  	[tilespmem:s29], [sflag:$0x1] =	stream.indirect_vreg.gather [hbm4b:s1+s3], $0x80, v4, vm0, $0xb8;
	[tilespmem:$0x10200] =	vst v63  }
0x10a: {  	_ = 	snop  }
0x10b: {  	[tilespmem:s30], [sflag:$0x1] =	stream.indirect_vreg.gather [hbm4b:s1+s3], $0x80, v3, vm0, $0xb8;
	[tilespmem:$0x10200] =	vst v63  }
0x10c: {  	v3 =	vld [tilespmem:$0x170];
	_ =	sdelay $0x4  }
0x10d: {  	v55 =	vshll.u32 v3, $0x1  }
0x10e: {  	v3 =	vand.u32 $0x7, v3;
	v4 =	vand.u32 $0xFFFFFFF0, v55  }
0x10f: {  	v3 =	vor.u32 v3, v4  }
0x110: {  	v4 =	vperm.xlane v3, v0;
	_ =	sdelay $0x1  }
0x111: {  	v3 =	vperm.xlane v3, v2;
	v4 =	vadd.s32 v1, v4;
	_ =	sdelay $0x1  }
0x112: {  	v3 =	vadd.s32 v1, v3;
	_ =	sdelay $0x2  }
0x113: {  	[tilespmem:s31], [sflag:$0x1] =	stream.indirect_vreg.gather [hbm4b:s1+s3], $0x80, v4, vm0, $0xb8;
	[tilespmem:$0x10200] =	vst v63  }
0x114: {  	_ = 	snop  }
0x115: {  	[tilespmem:s2], [sflag:$0x1] =	stream.indirect_vreg.gather [hbm4b:s1+s3], $0x80, v3, vm0, $0xb8;
	[tilespmem:$0x10200] =	vst v63  }
0x116: {  	_ =	swait.ge [sflag:s15], $0x8000  }
0x117: {  	[sflag:s15] =	ssyncset.done $0x0  }
0x118: {  	s2 =	rddreg [dreg:$0x5];
	[sflag:s15] =	ssyncadd.s32 $0xFFFF8000  }
0x119: {  	[hbm4b:s2+s3] =	stream.linear.scatter [tilespmem:s0], [sflag:$0x3], $0x8000, $0x38;
	[tilespmem:$0x10200] =	vst v63  }
0x11a: {  	_ =	swait.ge [sflag:s6], $0x8000  }
0x11b: {  	[sflag:s6] =	ssyncset.done $0x0  }
0x11c: {  	[sflag:s6] =	ssyncadd.s32 $0xFFFF8000  }
0x11d: {  	v3 =	vld [tilespmem:$0x180];
	_ =	sdelay $0x4  }
0x11e: {  	v56 =	vshll.u32 v3, $0x1  }
0x11f: {  	v3 =	vand.u32 $0x7, v3;
	v4 =	vand.u32 $0xFFFFFFF0, v56  }
0x120: {  	v3 =	vor.u32 v3, v4  }
0x121: {  	v4 =	vperm.xlane v3, v0;
	_ =	sdelay $0x1  }
0x122: {  	v3 =	vperm.xlane v3, v2;
	v4 =	vadd.s32 v1, v4;
	_ =	sdelay $0x1  }
0x123: {  	v3 =	vadd.s32 v1, v3;
	_ =	sdelay $0x2  }
0x124: {  	[tilespmem:s0], [sflag:$0x2] =	stream.indirect_vreg.gather [hbm4b:s1+s3], $0x80, v4, vm0, $0xb8;
	[tilespmem:$0x10200] =	vst v63  }
0x125: {  	_ = 	snop  }
0x126: {  	[tilespmem:s23], [sflag:$0x2] =	stream.indirect_vreg.gather [hbm4b:s1+s3], $0x80, v3, vm0, $0xb8;
	[tilespmem:$0x10200] =	vst v63  }
0x127: {  	v3 =	vld [tilespmem:$0x190];
	_ =	sdelay $0x4  }
0x128: {  	v57 =	vshll.u32 v3, $0x1  }
0x129: {  	v3 =	vand.u32 $0x7, v3;
	v4 =	vand.u32 $0xFFFFFFF0, v57  }
0x12a: {  	v3 =	vor.u32 v3, v4  }
0x12b: {  	v4 =	vperm.xlane v3, v0;
	_ =	sdelay $0x1  }
0x12c: {  	v3 =	vperm.xlane v3, v2;
	v4 =	vadd.s32 v1, v4;
	_ =	sdelay $0x1  }
0x12d: {  	v3 =	vadd.s32 v1, v3;
	_ =	sdelay $0x2  }
0x12e: {  	[tilespmem:s8], [sflag:$0x2] =	stream.indirect_vreg.gather [hbm4b:s1+s3], $0x80, v4, vm0, $0xb8;
	[tilespmem:$0x10200] =	vst v63  }
0x12f: {  	_ = 	snop  }
0x130: {  	[tilespmem:s9], [sflag:$0x2] =	stream.indirect_vreg.gather [hbm4b:s1+s3], $0x80, v3, vm0, $0xb8;
	[tilespmem:$0x10200] =	vst v63  }
0x131: {  	v3 =	vld [tilespmem:$0x1A0];
	_ =	sdelay $0x4  }
0x132: {  	v58 =	vshll.u32 v3, $0x1  }
0x133: {  	v3 =	vand.u32 $0x7, v3;
	v4 =	vand.u32 $0xFFFFFFF0, v58  }
0x134: {  	v3 =	vor.u32 v3, v4  }
0x135: {  	v4 =	vperm.xlane v3, v0;
	_ =	sdelay $0x1  }
0x136: {  	v3 =	vperm.xlane v3, v2;
	v4 =	vadd.s32 v1, v4;
	_ =	sdelay $0x1  }
0x137: {  	v3 =	vadd.s32 v1, v3;
	_ =	sdelay $0x2  }
0x138: {  	[tilespmem:s10], [sflag:$0x2] =	stream.indirect_vreg.gather [hbm4b:s1+s3], $0x80, v4, vm0, $0xb8;
	[tilespmem:$0x10200] =	vst v63  }
0x139: {  	_ = 	snop  }
0x13a: {  	[tilespmem:s11], [sflag:$0x2] =	stream.indirect_vreg.gather [hbm4b:s1+s3], $0x80, v3, vm0, $0xb8;
	[tilespmem:$0x10200] =	vst v63  }
0x13b: {  	v3 =	vld [tilespmem:$0x1B0];
	_ =	sdelay $0x4  }
0x13c: {  	v59 =	vshll.u32 v3, $0x1  }
0x13d: {  	v3 =	vand.u32 $0x7, v3;
	v4 =	vand.u32 $0xFFFFFFF0, v59  }
0x13e: {  	v3 =	vor.u32 v3, v4  }
0x13f: {  	v4 =	vperm.xlane v3, v0;
	_ =	sdelay $0x1  }
0x140: {  	v3 =	vperm.xlane v3, v2;
	v4 =	vadd.s32 v1, v4;
	_ =	sdelay $0x1  }
0x141: {  	v3 =	vadd.s32 v1, v3;
	_ =	sdelay $0x1  }
0x142: {  	s16 =	simm.s32 $0xB200  }
0x143: {  	[tilespmem:s16], [sflag:$0x2] =	stream.indirect_vreg.gather [hbm4b:s1+s3], $0x80, v4, vm0, $0xb8;
	[tilespmem:$0x10200] =	vst v63  }
0x144: {  	_ = 	snop  }
0x145: {  	[tilespmem:s13], [sflag:$0x2] =	stream.indirect_vreg.gather [hbm4b:s1+s3], $0x80, v3, vm0, $0xb8;
	[tilespmem:$0x10200] =	vst v63  }
0x146: {  	v3 =	vld [tilespmem:$0x1C0];
	_ =	sdelay $0x4  }
0x147: {  	v60 =	vshll.u32 v3, $0x1  }
0x148: {  	v3 =	vand.u32 $0x7, v3;
	v4 =	vand.u32 $0xFFFFFFF0, v60  }
0x149: {  	v3 =	vor.u32 v3, v4  }
0x14a: {  	v4 =	vperm.xlane v3, v0;
	_ =	sdelay $0x1  }
0x14b: {  	v3 =	vperm.xlane v3, v2;
	v4 =	vadd.s32 v1, v4;
	_ =	sdelay $0x1  }
0x14c: {  	v3 =	vadd.s32 v1, v3;
	_ =	sdelay $0x2  }
0x14d: {  	[tilespmem:s7], [sflag:$0x2] =	stream.indirect_vreg.gather [hbm4b:s1+s3], $0x80, v4, vm0, $0xb8;
	[tilespmem:$0x10200] =	vst v63  }
0x14e: {  	s16 =	simm.s32 $0xCA00  }
0x14f: {  	[tilespmem:s16], [sflag:$0x2] =	stream.indirect_vreg.gather [hbm4b:s1+s3], $0x80, v3, vm0, $0xb8;
	[tilespmem:$0x10200] =	vst v63  }
0x150: {  	v3 =	vld [tilespmem:$0x1D0];
	_ =	sdelay $0x4  }
0x151: {  	v61 =	vshll.u32 v3, $0x1  }
0x152: {  	v3 =	vand.u32 $0x7, v3;
	v4 =	vand.u32 $0xFFFFFFF0, v61  }
0x153: {  	v3 =	vor.u32 v3, v4  }
0x154: {  	v4 =	vperm.xlane v3, v0;
	_ =	sdelay $0x1  }
0x155: {  	v3 =	vperm.xlane v3, v2;
	v4 =	vadd.s32 v1, v4;
	_ =	sdelay $0x1  }
0x156: {  	v3 =	vadd.s32 v1, v3;
	_ =	sdelay $0x1  }
0x157: {  	s7 =	simm.s32 $0xD200  }
0x158: {  	[tilespmem:s7], [sflag:$0x2] =	stream.indirect_vreg.gather [hbm4b:s1+s3], $0x80, v4, vm0, $0xb8;
	[tilespmem:$0x10200] =	vst v63  }
0x159: {  	s16 =	simm.s32 $0xDA00  }
0x15a: {  	[tilespmem:s16], [sflag:$0x2] =	stream.indirect_vreg.gather [hbm4b:s1+s3], $0x80, v3, vm0, $0xb8;
	[tilespmem:$0x10200] =	vst v63  }
0x15b: {  	v3 =	vld [tilespmem:$0x1E0];
	_ =	sdelay $0x4  }
0x15c: {  	v62 =	vshll.u32 v3, $0x1  }
0x15d: {  	v3 =	vand.u32 $0x7, v3;
	v4 =	vand.u32 $0xFFFFFFF0, v62  }
0x15e: {  	v3 =	vor.u32 v3, v4  }
0x15f: {  	v4 =	vperm.xlane v3, v0;
	_ =	sdelay $0x1  }
0x160: {  	v3 =	vperm.xlane v3, v2;
	v4 =	vadd.s32 v1, v4;
	_ =	sdelay $0x1  }
0x161: {  	v3 =	vadd.s32 v1, v3;
	_ =	sdelay $0x1  }
0x162: {  	s7 =	simm.s32 $0xE200  }
0x163: {  	[tilespmem:s7], [sflag:$0x2] =	stream.indirect_vreg.gather [hbm4b:s1+s3], $0x80, v4, vm0, $0xb8;
	[tilespmem:$0x10200] =	vst v63  }
0x164: {  	s16 =	simm.s32 $0xEA00  }
0x165: {  	[tilespmem:s16], [sflag:$0x2] =	stream.indirect_vreg.gather [hbm4b:s1+s3], $0x80, v3, vm0, $0xb8;
	[tilespmem:$0x10200] =	vst v63  }
0x166: {  	v3 =	vld [tilespmem:$0x1F0];
	_ =	sdelay $0x4  }
0x167: {  	v63 =	vshll.u32 v3, $0x1  }
0x168: {  	v3 =	vand.u32 $0x7, v3;
	v4 =	vand.u32 $0xFFFFFFF0, v63  }
0x169: {  	v3 =	vor.u32 v3, v4  }
0x16a: {  	v4 =	vperm.xlane v3, v0;
	_ =	sdelay $0x1  }
0x16b: {  	v3 =	vperm.xlane v3, v2;
	v4 =	vadd.s32 v1, v4;
	_ =	sdelay $0x1  }
0x16c: {  	v3 =	vadd.s32 v1, v3;
	_ =	sdelay $0x1  }
0x16d: {  	s7 =	simm.s32 $0xF200  }
0x16e: {  	[tilespmem:s7], [sflag:$0x2] =	stream.indirect_vreg.gather [hbm4b:s1+s3], $0x80, v4, vm0, $0xb8;
	[tilespmem:$0x10200] =	vst v63  }
0x16f: {  	s16 =	simm.s32 $0xFA00  }
0x170: {  	[tilespmem:s16], [sflag:$0x2] =	stream.indirect_vreg.gather [hbm4b:s1+s3], $0x80, v3, vm0, $0xb8;
	[tilespmem:$0x10200] =	vst v63  }
0x171: {  	_ =	swait.ge [sflag:s4], $0x8000  }
0x172: {  	[sflag:s4] =	ssyncset.done $0x0  }
0x173: {  	s12 =	simm.s32 $0x200;
	s7 =	rddreg [dreg:$0x6];
	[sflag:s4] =	ssyncadd.s32 $0xFFFF8000  }
0x174: {  	[hbm4b:s7+s3] =	stream.linear.scatter [tilespmem:s12], [sflag:$0x3], $0x8000, $0x38;
	[tilespmem:$0x10200] =	vst v63  }
0x175: {  	_ =	swait.ge [sflag:s6], $0x8000  }
0x176: {  	[sflag:s6] =	ssyncset.done $0x0  }
0x177: {  	[sflag:s6] =	ssyncadd.s32 $0xFFFF8000  }
0x178: {  	_ =	swait.ge [sflag:s15], $0x8000  }
0x179: {  	p0 =	sne.s32 s5, $0x1;
	[sflag:s15] =	ssyncset.done $0x0  }
.Ltmp0:
0x17a: {  	s12 =	rddreg [dreg:$0x7];
	[sflag:s15] =	ssyncadd.s32 $0xFFFF8000;
	(pc) =	sbr.rel @p0 .LBB2_1-.Ltmp0, $4  }
0x17b: {  	[hbm4b:s12+s3] =	stream.linear.scatter [tilespmem:s0], [sflag:$0x3], $0x8000, $0x38;
	[tilespmem:$0x10200] =	vst v63  }
0x17c: {  	_ =	swait.ge [sflag:s6], $0x8000  }
0x17d: {  	[sflag:s6] =	ssyncset.done $0x0  }
0x17e: {  	s5 =	sadd.s32 $0xFFFFFFFF, s5;
	[sflag:s6] =	ssyncadd.s32 $0xFFFF8000  }
0x17f: {  	_ =	sfence.sel $0x180000  }
0x180: {  	[bflag:$0x0] =	sbarrier.arrive $0xFFFF  }
0x181: {  	_ =	strace $0x90000047  }
0x182: {  	s0 =	stileid.u32;
	[bflag:$0x2] =	sbarrier.arrive $0xFFFF  }
0x183: {  	p0 =	sne.s32 s0, $0x0;
	s0 =	rddreg [dreg:$0x3]  }
0x184: {  	s0 =	sadd.s32 @!p0 $0x100000, s0  }
0x185: {  	[sflag:s0] =	ssyncadd.tile.s32 @!p0 $0x1;
	_ =	shalt  }
.Lfunc_end2:
_tile_overlayer_lowered:
.L_overlay_start_2:
0x186: {  	(tag) =	ssettag $0x2  }
0x187: {  	s0 =	rddreg [dreg:$0x0];
	s2 =	stileid.u32  }
0x188: {  	s1 =	rddreg [dreg:$0x1];
	p0 =	sne.s32 s2, $0x0  }
0x189: {  	s3 =	rddreg [dreg:$0x2];
	[bflag:$0x3] =	sbarrier.arrive $0xFFFF;
	s2 =	simm.s32 @!p0 $0x1C03  }
0x18a: {  	[timem:s3], [sflag:s2] =	dma.local @!p0 [hbm:s0], s1  }
0x18b: {  	s0 =	simm.s32 @!p0 $0x3  }
0x18c: {  	_ =	swait.ge @!p0 [sflag:s0], s1  }
0x18d: {  	s1 =	ssub.s32 @!p0 $0x0, s1;
	[sflag:s0] =	ssyncset.done @!p0 $0x0  }
0x18e: {  	[sflag:s0] =	ssyncadd.s32 @!p0 s1  }
0x18f: {  	[bflag:$0x3] =	sbarrier.arrive $0xFFFF  }
0x190: {  	_ =	shalt  }

</sc_bundles>
